<compile_context>
chip_gen: v7x
topology: tpu7x:2x2x1
jax: 0.10.2.dev20260603
libtpu: 0.0.44.dev20260713+nightly
codegen_flags: <defaults>
</compile_context>

<pallas_src>
import functools

import jax
import jax.numpy as jnp
from jax import lax
from jax.experimental import pallas as pl
from jax.experimental.pallas import tpu as pltpu
from jax.experimental.pallas import tpu_sc as plsc

B = 32
SEQ = 512
D = 512
KB_N = 100000
TOP_N = 5
TOP_K = 5

_NEG = -3.0e38
_BIGI = 2 ** 30


def _sc_gather(table, idx):
    n = idx.shape[0]
    nw = 32
    per_w = n // nw
    ch = 128
    mesh = plsc.VectorSubcoreMesh(core_axis_name="c", subcore_axis_name="s")

    @functools.partial(
        pl.kernel,
        mesh=mesh,
        out_type=jax.ShapeDtypeStruct((n, D), jnp.float32),
        scratch_types=[
            pltpu.VMEM((ch,), jnp.int32),
            pltpu.VMEM((ch, D), jnp.float32),
            pltpu.SemaphoreType.DMA,
        ],
    )
    def k(table_hbm, idx_hbm, out_hbm, idx_v, rows_v, sem):
        wid = lax.axis_index("s") * 2 + lax.axis_index("c")
        base = wid * per_w
        for j in range(per_w // ch):
            off = base + j * ch
            pltpu.sync_copy(idx_hbm.at[pl.ds(off, ch)], idx_v)
            pltpu.async_copy(table_hbm.at[idx_v], rows_v, sem).wait()
            pltpu.sync_copy(rows_v, out_hbm.at[pl.ds(off, ch)])

    return k(table, idx)


def _lane_sum_512(x):
    c = ((x[:, 0:128] + x[:, 128:256]) + x[:, 256:384]) + x[:, 384:512]
    acc = c[:, 0:8]
    for k in range(1, 16):
        acc = acc + c[:, 8 * k:8 * (k + 1)]
    h = acc[:, 0:4] + acc[:, 4:8]
    h = h[:, 0:2] + h[:, 2:4]
    return h[:, 0:1] + h[:, 1:2]


def _lane_sum_512_T(x):
    r = x.shape[0]
    c = ((x[:, 0:128] + x[:, 128:256]) + x[:, 256:384]) + x[:, 384:512]
    ct = jnp.transpose(c)
    acc = ct[0:8, :]
    for k in range(1, 16):
        acc = acc + ct[8 * k:8 * (k + 1), :]
    h = acc[0:4, :] + acc[4:8, :]
    h = h[0:2, :] + h[2:4, :]
    tot = h[0:1, :] + h[1:2, :]
    back = jnp.transpose(jnp.broadcast_to(tot, (8, r)))
    return back[:, 0:1]


def _col_to_row(x):
    return jnp.transpose(jnp.broadcast_to(x, (x.shape[0], 8)))[0:1, :]


def _row_to_col(x):
    return jnp.transpose(jnp.broadcast_to(x, (8, x.shape[1])))[:, 0:1]


def _stage2_compute(emb_ref, tok_ref, w_ref, b_ref, recon_ref, score_ref, qn_ref):
    e = emb_ref[0]
    g = lax.dot_general(e, e, (((1,), (1,)), ((), ())),
                        preferred_element_type=jnp.float32)
    rowi = lax.broadcasted_iota(jnp.int32, (SEQ, SEQ), 0)
    coli = lax.broadcasted_iota(jnp.int32, (SEQ, SEQ), 1)
    sq_col = _lane_sum_512_T(e * e)
    sq_row = _col_to_row(sq_col)
    d2 = sq_col + sq_row - 2.0 * g

    colf = coli.astype(jnp.float32)
    dsel = []
    work = d2
    for _ in range(TOP_N):
        m = jnp.min(work, axis=1, keepdims=True)
        dsel.append(jnp.sqrt(jnp.maximum(m, 0.0)))
        first = jnp.min(jnp.where(work <= m, colf, 3.0e38), axis=1, keepdims=True)
        work = jnp.where(colf == first, 3.0e38, work)
    mean_dist = (((dsel[0] + dsel[4]) + dsel[2]) + (dsel[1] + dsel[3])
                 ) * jnp.float32(0.2)

    lin = lax.dot_general(e, w_ref[...], (((1,), (0,)), ((), ())),
                          preferred_element_type=jnp.float32) + b_ref[0, 0]
    s_col = jax.nn.sigmoid(lin) * jnp.exp(-mean_dist)

    s_row = _col_to_row(s_col)
    tok_row = tok_ref[0]
    tok_col = _row_to_col(tok_row)

    beats = (s_row > s_col) | ((s_row == s_col) & (coli < rowi))
    rank_col = jnp.sum(beats.astype(jnp.int32), axis=1, keepdims=True)

    recon_row = jnp.sum(jnp.where(rank_col == coli, tok_col, 0),
                        axis=0, keepdims=True)

    acc8 = e[0:8, :]
    for k in range(1, 64):
        acc8 = acc8 + e[8 * k:8 * (k + 1), :]
    acc4 = acc8[0:4, :] + acc8[4:8, :]
    acc2 = acc4[0:2, :] + acc4[2:4, :]
    qm = (acc2[0:1, :] + acc2[1:2, :]) * jnp.float32(1.0 / 512.0)
    nrm = jnp.sqrt(_lane_sum_512(qm * qm))
    qn = qm / (nrm + 1e-8)

    recon_ref[0] = recon_row
    score_ref[0] = s_row
    qn_ref[pl.ds(pl.program_id(0), 1), :] = qn


_CHUNK = 5000
_NCHUNK = KB_N // _CHUNK


def _stage3_compute(c, qn, kb_ref, idx_out_ref, bv_ref, bi_ref):
    @pl.when(c == 0)
    def _init():
        bv_ref[...] = jnp.full((B, 16), _NEG, jnp.float32)
        bi_ref[...] = jnp.zeros((B, 16), jnp.int32)

    kbc = kb_ref[...]
    n2 = _lane_sum_512_T(kbc * kbc)
    kbn = kbc / (jnp.sqrt(n2) + 1e-8)
    s = lax.dot_general(qn, kbn, (((1,), (1,)), ((), ())),
                        preferred_element_type=jnp.float32)

    colf = lax.broadcasted_iota(jnp.int32, (B, _CHUNK), 1).astype(jnp.float32)
    lane16 = lax.broadcasted_iota(jnp.int32, (B, 16), 1)

    cand_v = bv_ref[...]
    cand_i = bi_ref[...]
    base = c * _CHUNK
    for t in range(TOP_K):
        m = jnp.max(s, axis=1, keepdims=True)
        first = jnp.min(jnp.where(s >= m, colf, 3.0e38), axis=1, keepdims=True)
        s = jnp.where(colf == first, _NEG, s)
        cand_v = jnp.where(lane16 == 8 + t, m, cand_v)
        cand_i = jnp.where(lane16 == 8 + t,
                           base + first.astype(jnp.int32), cand_i)

    res_v = jnp.full((B, 16), _NEG, jnp.float32)
    res_i = jnp.zeros((B, 16), jnp.int32)
    work = cand_v
    for t in range(TOP_K):
        m = jnp.max(work, axis=1, keepdims=True)
        sel = jnp.min(jnp.where(work >= m, cand_i, _BIGI), axis=1, keepdims=True)
        res_v = jnp.where(lane16 == t, m, res_v)
        res_i = jnp.where(lane16 == t, sel, res_i)
        work = jnp.where((work >= m) & (cand_i == sel), _NEG, work)
    bv_ref[...] = res_v
    bi_ref[...] = res_i
    idx_out_ref[...] = res_i


def _stage2_body(emb_ref, tok_ref, w_ref, b_ref, recon_ref, score_ref, qn_ref):
    _stage2_compute(emb_ref, tok_ref, w_ref, b_ref, recon_ref, score_ref, qn_ref)


def _stage2(emb, tok3, w, b11):
    return pl.pallas_call(
        _stage2_body,
        grid=(B,),
        in_specs=[
            pl.BlockSpec((1, SEQ, D), lambda b: (b, 0, 0)),
            pl.BlockSpec((1, 1, SEQ), lambda b: (b, 0, 0)),
            pl.BlockSpec((D, 1), lambda b: (0, 0)),
            pl.BlockSpec((1, 1), lambda b: (0, 0)),
        ],
        out_specs=[
            pl.BlockSpec((1, 1, SEQ), lambda b: (b, 0, 0)),
            pl.BlockSpec((1, 1, SEQ), lambda b: (b, 0, 0)),
            pl.BlockSpec((B, D), lambda b: (0, 0)),
        ],
        out_shape=[
            jax.ShapeDtypeStruct((B, 1, SEQ), jnp.int32),
            jax.ShapeDtypeStruct((B, 1, SEQ), jnp.float32),
            jax.ShapeDtypeStruct((B, D), jnp.float32),
        ],
    )(emb, tok3, w, b11)


def _stage3_body(qn_ref, kb_ref, idx_out_ref, bv_ref, bi_ref):
    _stage3_compute(pl.program_id(0), qn_ref[...], kb_ref,
                    idx_out_ref, bv_ref, bi_ref)


def _stage3(qn, kb):
    return pl.pallas_call(
        _stage3_body,
        grid=(_NCHUNK,),
        in_specs=[
            pl.BlockSpec((B, D), lambda c: (0, 0)),
            pl.BlockSpec((_CHUNK, D), lambda c: (c, 0)),
        ],
        out_specs=pl.BlockSpec((B, 16), lambda c: (0, 0)),
        out_shape=jax.ShapeDtypeStruct((B, 16), jnp.int32),
        scratch_shapes=[
            pltpu.VMEM((B, 16), jnp.float32),
            pltpu.VMEM((B, 16), jnp.int32),
        ],
    )(qn, kb)


def kernel(query_tokens, prompt_tokens, rag_tokens, embedding, W_score, b_score, kb):
    tok_dtype = query_tokens.dtype
    combined = jnp.concatenate([query_tokens[:, :256], rag_tokens], axis=1)
    comb32 = combined.astype(jnp.int32)

    emb = _sc_gather(embedding, comb32.reshape(-1)).reshape(B, SEQ, D)

    recon, scores, qn = _stage2(
        emb,
        comb32.reshape(B, 1, SEQ),
        W_score,
        b_score.reshape(1, 1),
    )

    idx = _stage3(qn, kb)

    return (
        recon.reshape(B, SEQ).astype(tok_dtype),
        scores.reshape(B, SEQ),
        idx[:, :TOP_K],
    )

# --- scband reference (transcript-rebuilt; emitter-appended) ---
"""Pipeline reference for scband-ragquery-optimizer-35321811042901 (READ-ONLY COPY).

The authoritative reference and input builder live on the scoring server;
editing this copy changes nothing except your own understanding.
"""

import jax, jax.numpy as jnp
import numpy as np

B = 32
SEQ = 512
VOCAB = 100000
D = 512
KB_N = 100000
TOP_N = 5
TOP_K = 5


def setup_inputs(seed: int = 0) -> dict:
    key = jax.random.key(seed)
    ks = jax.random.split(key, 7)
    query_tokens = jax.random.randint(ks[0], (B, SEQ), 0, VOCAB, dtype=jnp.int64 if jax.config.jax_enable_x64 else jnp.int32)
    prompt_tokens = jax.random.randint(ks[1], (B, 256), 0, VOCAB, dtype=query_tokens.dtype)
    # The torch forward draws rag_tokens with torch.randint inside forward; we
    # materialize them deterministically as an input for reproducibility.
    rag_tokens = jax.random.randint(ks[2], (B, 256), 0, VOCAB, dtype=query_tokens.dtype)
    embedding = jax.random.normal(ks[3], (VOCAB, D), dtype=jnp.float32) * 0.02
    W_score = jax.random.normal(ks[4], (D, 1), dtype=jnp.float32) * 0.05
    b_score = jnp.zeros((1,), dtype=jnp.float32)
    kb = jax.random.normal(ks[5], (KB_N, D), dtype=jnp.float32)
    return {
        "query_tokens": query_tokens,
        "prompt_tokens": prompt_tokens,
        "rag_tokens": rag_tokens,
        "embedding": embedding,
        "W_score": W_score,
        "b_score": b_score,
        "kb": kb,
    }


def _pairwise_dist(x):
    # torch.cdist equivalent: Euclidean distance between all token embeddings
    sq = jnp.sum(x * x, axis=-1)
    dots = jnp.einsum('bnd,bmd->bnm', x, x)
    d2 = sq[:, :, None] + sq[:, None, :] - 2.0 * dots
    return jnp.sqrt(jnp.clip(d2, 0.0, None))


def reference(query_tokens, prompt_tokens, rag_tokens, embedding, W_score, b_score, kb):
    # SlidingWindowManager: combine query part (truncated) with RAG tokens
    # into a fixed window of length SEQ=512 (string/tokenizer parsing is not
    # expressible as tensor ops; we model the token-level recombination).
    combined = jnp.concatenate([query_tokens[:, :256], rag_tokens], axis=1)  # [B, 512]
    # TokenEmbedder
    emb = jnp.take(embedding, combined, axis=0)  # [B, 512, D] gather
    # ExploratoryMechanism: top_n nearest tokens by pairwise L2 distance
    dist = _pairwise_dist(emb)  # [B, 512, 512]
    neg_top, indices = jax.lax.top_k(-dist, TOP_N)
    distances = -neg_top  # [B, 512, TOP_N]
    # RAGScorer: linear score modulated by exploration distances
    lin = jnp.einsum('bnd,do->bno', emb, W_score)[..., 0] + b_score[0]
    rag_scores = jax.nn.sigmoid(lin) * jnp.exp(-distances.mean(axis=-1))  # [B, 512]
    # QueryReconstructor: reorder combined tokens by descending RAG score
    order = jnp.argsort(-rag_scores, axis=-1)
    reconstructed_query = jnp.take_along_axis(combined, order, axis=1)
    # Retriever: cosine-sim kNN over knowledge base, top_k docs
    query_mean = emb.mean(axis=1)  # [B, D]
    qn = query_mean / (jnp.linalg.norm(query_mean, axis=-1, keepdims=True) + 1e-8)
    kbn = kb / (jnp.linalg.norm(kb, axis=-1, keepdims=True) + 1e-8)
    sims = qn @ kbn.T  # [B, KB_N]
    _, retrieved_indices = jax.lax.top_k(sims, TOP_K)
    return reconstructed_query, rag_scores, retrieved_indices

if __name__ == "__main__":
    import jax
    _d = setup_inputs()
    print(jax.jit(kernel)(*tuple(_d.values())))

</pallas_src>

<mosaic_0001>
#map = affine_map<(d0, d1) -> (0, 0)>
#map1 = affine_map<(d0, d1) -> (0)>
module attributes {stable_mosaic.version = 14 : i64} {
  func.func @k(%arg0: i32, %arg1: i32, %arg2: memref<100000x512xf32, #tpu.memory_space<hbm>>, %arg3: memref<16384xi32, #tpu.memory_space<hbm>>, %arg4: memref<16384x512xf32, #tpu.memory_space<hbm>>, %arg5: memref<128xi32, #tpu.memory_space<vmem>>, %arg6: memref<128x512xf32, #tpu.memory_space<vmem>>, %arg7: memref<!tpu.dma_semaphore, #tpu.memory_space<semaphore_mem>>) attributes {dimension_semantics = [#tpu.dimension_semantics<core_parallel>, #tpu.dimension_semantics<subcore_parallel>], iteration_bounds = array<i64: 2, 16>, scalar_prefetch = 0 : i64, scratch_operands = 3 : i64, tpu.core_type = #tpu.core_type<sc_vector_subcore>, window_params = [{transform_indices = #map}, {transform_indices = #map1}, {transform_indices = #map}]} {
    %mul3A = arith.constant 2 : i32
    %mul3A_0 = arith.muli %arg1, %mul3A : i32
    %add3A = arith.addi %mul3A_0, %arg0 : i32
    %mul3A_1 = arith.constant 512 : i32
    %mul3A_2 = arith.muli %add3A, %mul3A_1 : i32
    %add3A_3 = arith.constant 0 : i32
    %add3A_4 = arith.addi %mul3A_2, %add3A_3 : i32
    "tpu.region"() ({
      %run_scoped3A = tpu.sem_alloc : memref<!tpu.dma_semaphore, #tpu.memory_space<semaphore_mem>>
      %dma_start3A_33 = tpu.memref_slice %arg3[%add3A_4] : memref<16384xi32, #tpu.memory_space<hbm>> -> memref<128xi32, #tpu.memory_space<hbm>>
      %dma_start3A_34 = tpu.memref_slice %arg3[%add3A_4] : memref<16384xi32, #tpu.memory_space<hbm>> -> memref<128xi32, #tpu.memory_space<hbm>>
      tpu.enqueue_dma source(%dma_start3A_34 : memref<128xi32, #tpu.memory_space<hbm>>) target(%arg5 : memref<128xi32, #tpu.memory_space<vmem>>) target_semaphore(%run_scoped3A : memref<!tpu.dma_semaphore, #tpu.memory_space<semaphore_mem>>)
      %dma_wait3A_35 = tpu.memref_slice %arg3[%add3A_4] : memref<16384xi32, #tpu.memory_space<hbm>> -> memref<128xi32, #tpu.memory_space<hbm>>
      %dma_wait3A_36 = tpu.memref_slice %arg3[%add3A_4] : memref<16384xi32, #tpu.memory_space<hbm>> -> memref<128xi32, #tpu.memory_space<hbm>>
      tpu.wait_dma2 semaphore(%run_scoped3A : memref<!tpu.dma_semaphore, #tpu.memory_space<semaphore_mem>>) src(%dma_wait3A_36 : memref<128xi32, #tpu.memory_space<hbm>>) dst(%arg5 : memref<128xi32, #tpu.memory_space<vmem>>)
      tpu.yield
    }) : () -> ()
    %dma_start3A = arith.constant 0 : i32
    %dma_start3A_5 = arith.constant 0 : i32
    %dma_start3A_6 = tpu.memref_slice %arg2[%dma_start3A, %dma_start3A_5] : memref<100000x512xf32, #tpu.memory_space<hbm>> -> memref<100000x512xf32, #tpu.memory_space<hbm>>
    tpu.enqueue_indirect_dma source(%dma_start3A_6 : memref<100000x512xf32, #tpu.memory_space<hbm>>) target(%arg6 : memref<128x512xf32, #tpu.memory_space<vmem>>) offsets(%arg5 : memref<128xi32, #tpu.memory_space<vmem>>) semaphore(%arg7 : memref<!tpu.dma_semaphore, #tpu.memory_space<semaphore_mem>>)
    %dma_wait3A = arith.constant 0 : i32
    %dma_wait3A_7 = arith.constant 0 : i32
    %dma_wait3A_8 = tpu.memref_slice %arg2[%dma_wait3A, %dma_wait3A_7] : memref<100000x512xf32, #tpu.memory_space<hbm>> -> memref<100000x512xf32, #tpu.memory_space<hbm>>
    tpu.wait_indirect_dma semaphore(%arg7 : memref<!tpu.dma_semaphore, #tpu.memory_space<semaphore_mem>>) src(%dma_wait3A_8 : memref<100000x512xf32, #tpu.memory_space<hbm>>) dst(%arg6 : memref<128x512xf32, #tpu.memory_space<vmem>>)
    "tpu.region"() ({
      %run_scoped3A = tpu.sem_alloc : memref<!tpu.dma_semaphore, #tpu.memory_space<semaphore_mem>>
      %dma_start3A_33 = arith.constant 0 : i32
      %dma_start3A_34 = tpu.memref_slice %arg4[%add3A_4, %dma_start3A_33] : memref<16384x512xf32, #tpu.memory_space<hbm>> -> memref<128x512xf32, #tpu.memory_space<hbm>>
      %dma_start3A_35 = arith.constant 0 : i32
      %dma_start3A_36 = tpu.memref_slice %arg4[%add3A_4, %dma_start3A_35] : memref<16384x512xf32, #tpu.memory_space<hbm>> -> memref<128x512xf32, #tpu.memory_space<hbm>>
      tpu.enqueue_dma source(%arg6 : memref<128x512xf32, #tpu.memory_space<vmem>>) target(%dma_start3A_36 : memref<128x512xf32, #tpu.memory_space<hbm>>) target_semaphore(%run_scoped3A : memref<!tpu.dma_semaphore, #tpu.memory_space<semaphore_mem>>)
      %dma_wait3A_37 = arith.constant 0 : i32
      %dma_wait3A_38 = tpu.memref_slice %arg4[%add3A_4, %dma_wait3A_37] : memref<16384x512xf32, #tpu.memory_space<hbm>> -> memref<128x512xf32, #tpu.memory_space<hbm>>
      %dma_wait3A_39 = arith.constant 0 : i32
      %dma_wait3A_40 = tpu.memref_slice %arg4[%add3A_4, %dma_wait3A_39] : memref<16384x512xf32, #tpu.memory_space<hbm>> -> memref<128x512xf32, #tpu.memory_space<hbm>>
      tpu.wait_dma2 semaphore(%run_scoped3A : memref<!tpu.dma_semaphore, #tpu.memory_space<semaphore_mem>>) src(%arg6 : memref<128x512xf32, #tpu.memory_space<vmem>>) dst(%dma_wait3A_40 : memref<128x512xf32, #tpu.memory_space<hbm>>)
      tpu.yield
    }) : () -> ()
    %add3A_9 = arith.constant 128 : i32
    %add3A_10 = arith.addi %mul3A_2, %add3A_9 : i32
    "tpu.region"() ({
      %run_scoped3A = tpu.sem_alloc : memref<!tpu.dma_semaphore, #tpu.memory_space<semaphore_mem>>
      %dma_start3A_33 = tpu.memref_slice %arg3[%add3A_10] : memref<16384xi32, #tpu.memory_space<hbm>> -> memref<128xi32, #tpu.memory_space<hbm>>
      %dma_start3A_34 = tpu.memref_slice %arg3[%add3A_10] : memref<16384xi32, #tpu.memory_space<hbm>> -> memref<128xi32, #tpu.memory_space<hbm>>
      tpu.enqueue_dma source(%dma_start3A_34 : memref<128xi32, #tpu.memory_space<hbm>>) target(%arg5 : memref<128xi32, #tpu.memory_space<vmem>>) target_semaphore(%run_scoped3A : memref<!tpu.dma_semaphore, #tpu.memory_space<semaphore_mem>>)
      %dma_wait3A_35 = tpu.memref_slice %arg3[%add3A_10] : memref<16384xi32, #tpu.memory_space<hbm>> -> memref<128xi32, #tpu.memory_space<hbm>>
      %dma_wait3A_36 = tpu.memref_slice %arg3[%add3A_10] : memref<16384xi32, #tpu.memory_space<hbm>> -> memref<128xi32, #tpu.memory_space<hbm>>
      tpu.wait_dma2 semaphore(%run_scoped3A : memref<!tpu.dma_semaphore, #tpu.memory_space<semaphore_mem>>) src(%dma_wait3A_36 : memref<128xi32, #tpu.memory_space<hbm>>) dst(%arg5 : memref<128xi32, #tpu.memory_space<vmem>>)
      tpu.yield
    }) : () -> ()
    %dma_start3A_11 = arith.constant 0 : i32
    %dma_start3A_12 = arith.constant 0 : i32
    %dma_start3A_13 = tpu.memref_slice %arg2[%dma_start3A_11, %dma_start3A_12] : memref<100000x512xf32, #tpu.memory_space<hbm>> -> memref<100000x512xf32, #tpu.memory_space<hbm>>
    tpu.enqueue_indirect_dma source(%dma_start3A_13 : memref<100000x512xf32, #tpu.memory_space<hbm>>) target(%arg6 : memref<128x512xf32, #tpu.memory_space<vmem>>) offsets(%arg5 : memref<128xi32, #tpu.memory_space<vmem>>) semaphore(%arg7 : memref<!tpu.dma_semaphore, #tpu.memory_space<semaphore_mem>>)
    %dma_wait3A_14 = arith.constant 0 : i32
    %dma_wait3A_15 = arith.constant 0 : i32
    %dma_wait3A_16 = tpu.memref_slice %arg2[%dma_wait3A_14, %dma_wait3A_15] : memref<100000x512xf32, #tpu.memory_space<hbm>> -> memref<100000x512xf32, #tpu.memory_space<hbm>>
    tpu.wait_indirect_dma semaphore(%arg7 : memref<!tpu.dma_semaphore, #tpu.memory_space<semaphore_mem>>) src(%dma_wait3A_16 : memref<100000x512xf32, #tpu.memory_space<hbm>>) dst(%arg6 : memref<128x512xf32, #tpu.memory_space<vmem>>)
    "tpu.region"() ({
      %run_scoped3A = tpu.sem_alloc : memref<!tpu.dma_semaphore, #tpu.memory_space<semaphore_mem>>
      %dma_start3A_33 = arith.constant 0 : i32
      %dma_start3A_34 = tpu.memref_slice %arg4[%add3A_10, %dma_start3A_33] : memref<16384x512xf32, #tpu.memory_space<hbm>> -> memref<128x512xf32, #tpu.memory_space<hbm>>
      %dma_start3A_35 = arith.constant 0 : i32
      %dma_start3A_36 = tpu.memref_slice %arg4[%add3A_10, %dma_start3A_35] : memref<16384x512xf32, #tpu.memory_space<hbm>> -> memref<128x512xf32, #tpu.memory_space<hbm>>
      tpu.enqueue_dma source(%arg6 : memref<128x512xf32, #tpu.memory_space<vmem>>) target(%dma_start3A_36 : memref<128x512xf32, #tpu.memory_space<hbm>>) target_semaphore(%run_scoped3A : memref<!tpu.dma_semaphore, #tpu.memory_space<semaphore_mem>>)
      %dma_wait3A_37 = arith.constant 0 : i32
      %dma_wait3A_38 = tpu.memref_slice %arg4[%add3A_10, %dma_wait3A_37] : memref<16384x512xf32, #tpu.memory_space<hbm>> -> memref<128x512xf32, #tpu.memory_space<hbm>>
      %dma_wait3A_39 = arith.constant 0 : i32
      %dma_wait3A_40 = tpu.memref_slice %arg4[%add3A_10, %dma_wait3A_39] : memref<16384x512xf32, #tpu.memory_space<hbm>> -> memref<128x512xf32, #tpu.memory_space<hbm>>
      tpu.wait_dma2 semaphore(%run_scoped3A : memref<!tpu.dma_semaphore, #tpu.memory_space<semaphore_mem>>) src(%arg6 : memref<128x512xf32, #tpu.memory_space<vmem>>) dst(%dma_wait3A_40 : memref<128x512xf32, #tpu.memory_space<hbm>>)
      tpu.yield
    }) : () -> ()
    %add3A_17 = arith.constant 256 : i32
    %add3A_18 = arith.addi %mul3A_2, %add3A_17 : i32
    "tpu.region"() ({
      %run_scoped3A = tpu.sem_alloc : memref<!tpu.dma_semaphore, #tpu.memory_space<semaphore_mem>>
      %dma_start3A_33 = tpu.memref_slice %arg3[%add3A_18] : memref<16384xi32, #tpu.memory_space<hbm>> -> memref<128xi32, #tpu.memory_space<hbm>>
      %dma_start3A_34 = tpu.memref_slice %arg3[%add3A_18] : memref<16384xi32, #tpu.memory_space<hbm>> -> memref<128xi32, #tpu.memory_space<hbm>>
      tpu.enqueue_dma source(%dma_start3A_34 : memref<128xi32, #tpu.memory_space<hbm>>) target(%arg5 : memref<128xi32, #tpu.memory_space<vmem>>) target_semaphore(%run_scoped3A : memref<!tpu.dma_semaphore, #tpu.memory_space<semaphore_mem>>)
      %dma_wait3A_35 = tpu.memref_slice %arg3[%add3A_18] : memref<16384xi32, #tpu.memory_space<hbm>> -> memref<128xi32, #tpu.memory_space<hbm>>
      %dma_wait3A_36 = tpu.memref_slice %arg3[%add3A_18] : memref<16384xi32, #tpu.memory_space<hbm>> -> memref<128xi32, #tpu.memory_space<hbm>>
      tpu.wait_dma2 semaphore(%run_scoped3A : memref<!tpu.dma_semaphore, #tpu.memory_space<semaphore_mem>>) src(%dma_wait3A_36 : memref<128xi32, #tpu.memory_space<hbm>>) dst(%arg5 : memref<128xi32, #tpu.memory_space<vmem>>)
      tpu.yield
    }) : () -> ()
    %dma_start3A_19 = arith.constant 0 : i32
    %dma_start3A_20 = arith.constant 0 : i32
    %dma_start3A_21 = tpu.memref_slice %arg2[%dma_start3A_19, %dma_start3A_20] : memref<100000x512xf32, #tpu.memory_space<hbm>> -> memref<100000x512xf32, #tpu.memory_space<hbm>>
    tpu.enqueue_indirect_dma source(%dma_start3A_21 : memref<100000x512xf32, #tpu.memory_space<hbm>>) target(%arg6 : memref<128x512xf32, #tpu.memory_space<vmem>>) offsets(%arg5 : memref<128xi32, #tpu.memory_space<vmem>>) semaphore(%arg7 : memref<!tpu.dma_semaphore, #tpu.memory_space<semaphore_mem>>)
    %dma_wait3A_22 = arith.constant 0 : i32
    %dma_wait3A_23 = arith.constant 0 : i32
    %dma_wait3A_24 = tpu.memref_slice %arg2[%dma_wait3A_22, %dma_wait3A_23] : memref<100000x512xf32, #tpu.memory_space<hbm>> -> memref<100000x512xf32, #tpu.memory_space<hbm>>
    tpu.wait_indirect_dma semaphore(%arg7 : memref<!tpu.dma_semaphore, #tpu.memory_space<semaphore_mem>>) src(%dma_wait3A_24 : memref<100000x512xf32, #tpu.memory_space<hbm>>) dst(%arg6 : memref<128x512xf32, #tpu.memory_space<vmem>>)
    "tpu.region"() ({
      %run_scoped3A = tpu.sem_alloc : memref<!tpu.dma_semaphore, #tpu.memory_space<semaphore_mem>>
      %dma_start3A_33 = arith.constant 0 : i32
      %dma_start3A_34 = tpu.memref_slice %arg4[%add3A_18, %dma_start3A_33] : memref<16384x512xf32, #tpu.memory_space<hbm>> -> memref<128x512xf32, #tpu.memory_space<hbm>>
      %dma_start3A_35 = arith.constant 0 : i32
      %dma_start3A_36 = tpu.memref_slice %arg4[%add3A_18, %dma_start3A_35] : memref<16384x512xf32, #tpu.memory_space<hbm>> -> memref<128x512xf32, #tpu.memory_space<hbm>>
      tpu.enqueue_dma source(%arg6 : memref<128x512xf32, #tpu.memory_space<vmem>>) target(%dma_start3A_36 : memref<128x512xf32, #tpu.memory_space<hbm>>) target_semaphore(%run_scoped3A : memref<!tpu.dma_semaphore, #tpu.memory_space<semaphore_mem>>)
      %dma_wait3A_37 = arith.constant 0 : i32
      %dma_wait3A_38 = tpu.memref_slice %arg4[%add3A_18, %dma_wait3A_37] : memref<16384x512xf32, #tpu.memory_space<hbm>> -> memref<128x512xf32, #tpu.memory_space<hbm>>
      %dma_wait3A_39 = arith.constant 0 : i32
      %dma_wait3A_40 = tpu.memref_slice %arg4[%add3A_18, %dma_wait3A_39] : memref<16384x512xf32, #tpu.memory_space<hbm>> -> memref<128x512xf32, #tpu.memory_space<hbm>>
      tpu.wait_dma2 semaphore(%run_scoped3A : memref<!tpu.dma_semaphore, #tpu.memory_space<semaphore_mem>>) src(%arg6 : memref<128x512xf32, #tpu.memory_space<vmem>>) dst(%dma_wait3A_40 : memref<128x512xf32, #tpu.memory_space<hbm>>)
      tpu.yield
    }) : () -> ()
    %add3A_25 = arith.constant 384 : i32
    %add3A_26 = arith.addi %mul3A_2, %add3A_25 : i32
    "tpu.region"() ({
      %run_scoped3A = tpu.sem_alloc : memref<!tpu.dma_semaphore, #tpu.memory_space<semaphore_mem>>
      %dma_start3A_33 = tpu.memref_slice %arg3[%add3A_26] : memref<16384xi32, #tpu.memory_space<hbm>> -> memref<128xi32, #tpu.memory_space<hbm>>
      %dma_start3A_34 = tpu.memref_slice %arg3[%add3A_26] : memref<16384xi32, #tpu.memory_space<hbm>> -> memref<128xi32, #tpu.memory_space<hbm>>
      tpu.enqueue_dma source(%dma_start3A_34 : memref<128xi32, #tpu.memory_space<hbm>>) target(%arg5 : memref<128xi32, #tpu.memory_space<vmem>>) target_semaphore(%run_scoped3A : memref<!tpu.dma_semaphore, #tpu.memory_space<semaphore_mem>>)
      %dma_wait3A_35 = tpu.memref_slice %arg3[%add3A_26] : memref<16384xi32, #tpu.memory_space<hbm>> -> memref<128xi32, #tpu.memory_space<hbm>>
      %dma_wait3A_36 = tpu.memref_slice %arg3[%add3A_26] : memref<16384xi32, #tpu.memory_space<hbm>> -> memref<128xi32, #tpu.memory_space<hbm>>
      tpu.wait_dma2 semaphore(%run_scoped3A : memref<!tpu.dma_semaphore, #tpu.memory_space<semaphore_mem>>) src(%dma_wait3A_36 : memref<128xi32, #tpu.memory_space<hbm>>) dst(%arg5 : memref<128xi32, #tpu.memory_space<vmem>>)
      tpu.yield
    }) : () -> ()
    %dma_start3A_27 = arith.constant 0 : i32
    %dma_start3A_28 = arith.constant 0 : i32
    %dma_start3A_29 = tpu.memref_slice %arg2[%dma_start3A_27, %dma_start3A_28] : memref<100000x512xf32, #tpu.memory_space<hbm>> -> memref<100000x512xf32, #tpu.memory_space<hbm>>
    tpu.enqueue_indirect_dma source(%dma_start3A_29 : memref<100000x512xf32, #tpu.memory_space<hbm>>) target(%arg6 : memref<128x512xf32, #tpu.memory_space<vmem>>) offsets(%arg5 : memref<128xi32, #tpu.memory_space<vmem>>) semaphore(%arg7 : memref<!tpu.dma_semaphore, #tpu.memory_space<semaphore_mem>>)
    %dma_wait3A_30 = arith.constant 0 : i32
    %dma_wait3A_31 = arith.constant 0 : i32
    %dma_wait3A_32 = tpu.memref_slice %arg2[%dma_wait3A_30, %dma_wait3A_31] : memref<100000x512xf32, #tpu.memory_space<hbm>> -> memref<100000x512xf32, #tpu.memory_space<hbm>>
    tpu.wait_indirect_dma semaphore(%arg7 : memref<!tpu.dma_semaphore, #tpu.memory_space<semaphore_mem>>) src(%dma_wait3A_32 : memref<100000x512xf32, #tpu.memory_space<hbm>>) dst(%arg6 : memref<128x512xf32, #tpu.memory_space<vmem>>)
    "tpu.region"() ({
      %run_scoped3A = tpu.sem_alloc : memref<!tpu.dma_semaphore, #tpu.memory_space<semaphore_mem>>
      %dma_start3A_33 = arith.constant 0 : i32
      %dma_start3A_34 = tpu.memref_slice %arg4[%add3A_26, %dma_start3A_33] : memref<16384x512xf32, #tpu.memory_space<hbm>> -> memref<128x512xf32, #tpu.memory_space<hbm>>
      %dma_start3A_35 = arith.constant 0 : i32
      %dma_start3A_36 = tpu.memref_slice %arg4[%add3A_26, %dma_start3A_35] : memref<16384x512xf32, #tpu.memory_space<hbm>> -> memref<128x512xf32, #tpu.memory_space<hbm>>
      tpu.enqueue_dma source(%arg6 : memref<128x512xf32, #tpu.memory_space<vmem>>) target(%dma_start3A_36 : memref<128x512xf32, #tpu.memory_space<hbm>>) target_semaphore(%run_scoped3A : memref<!tpu.dma_semaphore, #tpu.memory_space<semaphore_mem>>)
      %dma_wait3A_37 = arith.constant 0 : i32
      %dma_wait3A_38 = tpu.memref_slice %arg4[%add3A_26, %dma_wait3A_37] : memref<16384x512xf32, #tpu.memory_space<hbm>> -> memref<128x512xf32, #tpu.memory_space<hbm>>
      %dma_wait3A_39 = arith.constant 0 : i32
      %dma_wait3A_40 = tpu.memref_slice %arg4[%add3A_26, %dma_wait3A_39] : memref<16384x512xf32, #tpu.memory_space<hbm>> -> memref<128x512xf32, #tpu.memory_space<hbm>>
      tpu.wait_dma2 semaphore(%run_scoped3A : memref<!tpu.dma_semaphore, #tpu.memory_space<semaphore_mem>>) src(%arg6 : memref<128x512xf32, #tpu.memory_space<vmem>>) dst(%dma_wait3A_40 : memref<128x512xf32, #tpu.memory_space<hbm>>)
      tpu.yield
    }) : () -> ()
    return
  }
}

module attributes {stable_mosaic.version = 14 : i64} {
  func.func @_stage2_body(%arg0: i32, %arg1: memref<1x512x512xf32, #tpu.memory_space<vmem>>, %arg2: memref<1x1x512xi32, #tpu.memory_space<vmem>>, %arg3: memref<512x1xf32, #tpu.memory_space<vmem>>, %arg4: memref<1x1xf32, #tpu.memory_space<vmem>>, %arg5: memref<1x1x512xi32, #tpu.memory_space<vmem>>, %arg6: memref<1x1x512xf32, #tpu.memory_space<vmem>>, %arg7: memref<32x512xf32, #tpu.memory_space<vmem>>) attributes {dimension_semantics = [#tpu.dimension_semantics<arbitrary>], iteration_bounds = array<i64: 32>, scalar_prefetch = 0 : i64, scratch_operands = 0 : i64, tpu.core_type = #tpu.core_type<tc>, window_params = [{transform_indices = @transform_0, window_bounds = array<i64: 1, 512, 512>}, {transform_indices = @transform_1, window_bounds = array<i64: 1, 1, 512>}, {pipeline_mode = #tpu.pipeline_mode<synchronous>, transform_indices = @transform_2, window_bounds = array<i64: 512, 1>}, {pipeline_mode = #tpu.pipeline_mode<synchronous>, transform_indices = @transform_3, window_bounds = array<i64: 1, 1>}, {transform_indices = @transform_4, window_bounds = array<i64: 1, 1, 512>}, {transform_indices = @transform_5, window_bounds = array<i64: 1, 1, 512>}, {pipeline_mode = #tpu.pipeline_mode<synchronous>, transform_indices = @transform_6, window_bounds = array<i64: 32, 512>}]} {
    %get3A = arith.constant 0 : index
    %get3A_0 = arith.constant 0 : index
    %get3A_1 = arith.constant 0 : index
    %get3A_2 = vector.load %arg1[%get3A, %get3A_0, %get3A_1] : memref<1x512x512xf32, #tpu.memory_space<vmem>>, vector<1x512x512xf32>
    %get3A_3 = vector.shape_cast %get3A_2 : vector<1x512x512xf32> to vector<512x512xf32>
    %dot_general3A = arith.constant dense<0.000000e+00> : vector<512x512xf32>
    %dot_general3A_4 = tpu.matmul %get3A_3, %get3A_3, %dot_general3A {dimension_numbers = #tpu.dot_dimension_numbers<[1], [1], [0], [0], [0, 0, 1, 0], [], []>, transpose_lhs_hint = false} : vector<512x512xf32>, vector<512x512xf32>, vector<512x512xf32> -> vector<512x512xf32>
    %iota3A = tpu.iota {dimensions = array<i32: 0>} : vector<512x512xi32>
    %iota3A_5 = tpu.iota {dimensions = array<i32: 1>} : vector<512x512xi32>
    %mul3A = arith.mulf %get3A_3, %get3A_3 : vector<512x512xf32>
    %slice3A = vector.extract_strided_slice %mul3A {offsets = [0, 0], sizes = [512, 128], strides = [1, 1]} : vector<512x512xf32> to vector<512x128xf32>
    %slice3A_6 = vector.extract_strided_slice %mul3A {offsets = [0, 128], sizes = [512, 128], strides = [1, 1]} : vector<512x512xf32> to vector<512x128xf32>
    %add3A = arith.addf %slice3A, %slice3A_6 : vector<512x128xf32>
    %slice3A_7 = vector.extract_strided_slice %mul3A {offsets = [0, 256], sizes = [512, 128], strides = [1, 1]} : vector<512x512xf32> to vector<512x128xf32>
    %add3A_8 = arith.addf %add3A, %slice3A_7 : vector<512x128xf32>
    %slice3A_9 = vector.extract_strided_slice %mul3A {offsets = [0, 384], sizes = [512, 128], strides = [1, 1]} : vector<512x512xf32> to vector<512x128xf32>
    %add3A_10 = arith.addf %add3A_8, %slice3A_9 : vector<512x128xf32>
    %transpose3A = tpu.transpose %add3A_10, [1, 0] : vector<512x128xf32> -> vector<128x512xf32>
    %slice3A_11 = vector.extract_strided_slice %transpose3A {offsets = [0, 0], sizes = [8, 512], strides = [1, 1]} : vector<128x512xf32> to vector<8x512xf32>
    %slice3A_12 = vector.extract_strided_slice %transpose3A {offsets = [8, 0], sizes = [8, 512], strides = [1, 1]} : vector<128x512xf32> to vector<8x512xf32>
    %add3A_13 = arith.addf %slice3A_11, %slice3A_12 : vector<8x512xf32>
    %slice3A_14 = vector.extract_strided_slice %transpose3A {offsets = [16, 0], sizes = [8, 512], strides = [1, 1]} : vector<128x512xf32> to vector<8x512xf32>
    %add3A_15 = arith.addf %add3A_13, %slice3A_14 : vector<8x512xf32>
    %slice3A_16 = vector.extract_strided_slice %transpose3A {offsets = [24, 0], sizes = [8, 512], strides = [1, 1]} : vector<128x512xf32> to vector<8x512xf32>
    %add3A_17 = arith.addf %add3A_15, %slice3A_16 : vector<8x512xf32>
    %slice3A_18 = vector.extract_strided_slice %transpose3A {offsets = [32, 0], sizes = [8, 512], strides = [1, 1]} : vector<128x512xf32> to vector<8x512xf32>
    %add3A_19 = arith.addf %add3A_17, %slice3A_18 : vector<8x512xf32>
    %slice3A_20 = vector.extract_strided_slice %transpose3A {offsets = [40, 0], sizes = [8, 512], strides = [1, 1]} : vector<128x512xf32> to vector<8x512xf32>
    %add3A_21 = arith.addf %add3A_19, %slice3A_20 : vector<8x512xf32>
    %slice3A_22 = vector.extract_strided_slice %transpose3A {offsets = [48, 0], sizes = [8, 512], strides = [1, 1]} : vector<128x512xf32> to vector<8x512xf32>
    %add3A_23 = arith.addf %add3A_21, %slice3A_22 : vector<8x512xf32>
    %slice3A_24 = vector.extract_strided_slice %transpose3A {offsets = [56, 0], sizes = [8, 512], strides = [1, 1]} : vector<128x512xf32> to vector<8x512xf32>
    %add3A_25 = arith.addf %add3A_23, %slice3A_24 : vector<8x512xf32>
    %slice3A_26 = vector.extract_strided_slice %transpose3A {offsets = [64, 0], sizes = [8, 512], strides = [1, 1]} : vector<128x512xf32> to vector<8x512xf32>
    %add3A_27 = arith.addf %add3A_25, %slice3A_26 : vector<8x512xf32>
    %slice3A_28 = vector.extract_strided_slice %transpose3A {offsets = [72, 0], sizes = [8, 512], strides = [1, 1]} : vector<128x512xf32> to vector<8x512xf32>
    %add3A_29 = arith.addf %add3A_27, %slice3A_28 : vector<8x512xf32>
    %slice3A_30 = vector.extract_strided_slice %transpose3A {offsets = [80, 0], sizes = [8, 512], strides = [1, 1]} : vector<128x512xf32> to vector<8x512xf32>
    %add3A_31 = arith.addf %add3A_29, %slice3A_30 : vector<8x512xf32>
    %slice3A_32 = vector.extract_strided_slice %transpose3A {offsets = [88, 0], sizes = [8, 512], strides = [1, 1]} : vector<128x512xf32> to vector<8x512xf32>
    %add3A_33 = arith.addf %add3A_31, %slice3A_32 : vector<8x512xf32>
    %slice3A_34 = vector.extract_strided_slice %transpose3A {offsets = [96, 0], sizes = [8, 512], strides = [1, 1]} : vector<128x512xf32> to vector<8x512xf32>
    %add3A_35 = arith.addf %add3A_33, %slice3A_34 : vector<8x512xf32>
    %slice3A_36 = vector.extract_strided_slice %transpose3A {offsets = [104, 0], sizes = [8, 512], strides = [1, 1]} : vector<128x512xf32> to vector<8x512xf32>
    %add3A_37 = arith.addf %add3A_35, %slice3A_36 : vector<8x512xf32>
    %slice3A_38 = vector.extract_strided_slice %transpose3A {offsets = [112, 0], sizes = [8, 512], strides = [1, 1]} : vector<128x512xf32> to vector<8x512xf32>
    %add3A_39 = arith.addf %add3A_37, %slice3A_38 : vector<8x512xf32>
    %slice3A_40 = vector.extract_strided_slice %transpose3A {offsets = [120, 0], sizes = [8, 512], strides = [1, 1]} : vector<128x512xf32> to vector<8x512xf32>
    %add3A_41 = arith.addf %add3A_39, %slice3A_40 : vector<8x512xf32>
    %slice3A_42 = vector.extract_strided_slice %add3A_41 {offsets = [0, 0], sizes = [4, 512], strides = [1, 1]} : vector<8x512xf32> to vector<4x512xf32>
    %slice3A_43 = vector.extract_strided_slice %add3A_41 {offsets = [4, 0], sizes = [4, 512], strides = [1, 1]} : vector<8x512xf32> to vector<4x512xf32>
    %add3A_44 = arith.addf %slice3A_42, %slice3A_43 : vector<4x512xf32>
    %slice3A_45 = vector.extract_strided_slice %add3A_44 {offsets = [0, 0], sizes = [2, 512], strides = [1, 1]} : vector<4x512xf32> to vector<2x512xf32>
    %slice3A_46 = vector.extract_strided_slice %add3A_44 {offsets = [2, 0], sizes = [2, 512], strides = [1, 1]} : vector<4x512xf32> to vector<2x512xf32>
    %add3A_47 = arith.addf %slice3A_45, %slice3A_46 : vector<2x512xf32>
    %slice3A_48 = vector.extract_strided_slice %add3A_47 {offsets = [0, 0], sizes = [1, 512], strides = [1, 1]} : vector<2x512xf32> to vector<1x512xf32>
    %slice3A_49 = vector.extract_strided_slice %add3A_47 {offsets = [1, 0], sizes = [1, 512], strides = [1, 1]} : vector<2x512xf32> to vector<1x512xf32>
    %add3A_50 = arith.addf %slice3A_48, %slice3A_49 : vector<1x512xf32>
    %broadcast_in_dim3A = vector.shape_cast %add3A_50 : vector<1x512xf32> to vector<1x512xf32>
    %broadcast_in_dim3A_51 = vector.broadcast %broadcast_in_dim3A : vector<1x512xf32> to vector<8x512xf32>
    %transpose3A_52 = tpu.transpose %broadcast_in_dim3A_51, [1, 0] : vector<8x512xf32> -> vector<512x8xf32>
    %slice3A_53 = vector.extract_strided_slice %transpose3A_52 {offsets = [0, 0], sizes = [512, 1], strides = [1, 1]} : vector<512x8xf32> to vector<512x1xf32>
    %broadcast_in_dim3A_54 = vector.shape_cast %slice3A_53 : vector<512x1xf32> to vector<512x1xf32>
    %broadcast_in_dim3A_55 = vector.broadcast %broadcast_in_dim3A_54 : vector<512x1xf32> to vector<512x8xf32>
    %transpose3A_56 = tpu.transpose %broadcast_in_dim3A_55, [1, 0] : vector<512x8xf32> -> vector<8x512xf32>
    %slice3A_57 = vector.extract_strided_slice %transpose3A_56 {offsets = [0, 0], sizes = [1, 512], strides = [1, 1]} : vector<8x512xf32> to vector<1x512xf32>
    %add3A_58 = vector.broadcast %slice3A_53 : vector<512x1xf32> to vector<512x512xf32>
    %add3A_59 = vector.broadcast %slice3A_57 : vector<1x512xf32> to vector<512x512xf32>
    %add3A_60 = arith.addf %add3A_58, %add3A_59 : vector<512x512xf32>
    %mul3A_61 = arith.constant 2.000000e+00 : f32
    %mul3A_62 = vector.broadcast %mul3A_61 : f32 to vector<512x512xf32>
    %mul3A_63 = arith.mulf %mul3A_62, %dot_general3A_4 : vector<512x512xf32>
    %sub3A = arith.subf %add3A_60, %mul3A_63 : vector<512x512xf32>
    %convert_element_type3A = arith.sitofp %iota3A_5 : vector<512x512xi32> to vector<512x512xf32>
    %reduce_min3A = arith.constant dense<0x7F800000> : vector<512xf32>
    %reduce_min3A_64 = vector.multi_reduction <minimumf>, %sub3A, %reduce_min3A [1] : vector<512x512xf32> to vector<512xf32>
    %broadcast_in_dim3A_65 = vector.shape_cast %reduce_min3A_64 : vector<512xf32> to vector<512x1xf32>
    %max3A = arith.constant 0.000000e+00 : f32
    %max3A_66 = vector.broadcast %max3A : f32 to vector<512x1xf32>
    %max3A_67 = arith.maximumf %broadcast_in_dim3A_65, %max3A_66 : vector<512x1xf32>
    %sqrt3A = math.sqrt %max3A_67 : vector<512x1xf32>
    %le3A = vector.broadcast %broadcast_in_dim3A_65 : vector<512x1xf32> to vector<512x512xf32>
    %le3A_68 = arith.cmpf ole, %sub3A, %le3A : vector<512x512xf32>
    %jit3A = arith.constant 3.000000e+38 : f32
    %broadcast_in_dim3A_69 = vector.broadcast %jit3A : f32 to vector<512x512xf32>
    %select_n3A = arith.select %le3A_68, %convert_element_type3A, %broadcast_in_dim3A_69 : vector<512x512xi1>, vector<512x512xf32>
    %reduce_min3A_70 = arith.constant dense<0x7F800000> : vector<512xf32>
    %reduce_min3A_71 = vector.multi_reduction <minimumf>, %select_n3A, %reduce_min3A_70 [1] : vector<512x512xf32> to vector<512xf32>
    %broadcast_in_dim3A_72 = vector.shape_cast %reduce_min3A_71 : vector<512xf32> to vector<512x1xf32>
    %eq3A = vector.broadcast %broadcast_in_dim3A_72 : vector<512x1xf32> to vector<512x512xf32>
    %eq3A_73 = arith.cmpf oeq, %convert_element_type3A, %eq3A : vector<512x512xf32>
    %jit3A_74 = arith.constant 3.000000e+38 : f32
    %broadcast_in_dim3A_75 = vector.broadcast %jit3A_74 : f32 to vector<512x512xf32>
    %select_n3A_76 = arith.select %eq3A_73, %broadcast_in_dim3A_75, %sub3A : vector<512x512xi1>, vector<512x512xf32>
    %reduce_min3A_77 = arith.constant dense<0x7F800000> : vector<512xf32>
    %reduce_min3A_78 = vector.multi_reduction <minimumf>, %select_n3A_76, %reduce_min3A_77 [1] : vector<512x512xf32> to vector<512xf32>
    %broadcast_in_dim3A_79 = vector.shape_cast %reduce_min3A_78 : vector<512xf32> to vector<512x1xf32>
    %max3A_80 = arith.constant 0.000000e+00 : f32
    %max3A_81 = vector.broadcast %max3A_80 : f32 to vector<512x1xf32>
    %max3A_82 = arith.maximumf %broadcast_in_dim3A_79, %max3A_81 : vector<512x1xf32>
    %sqrt3A_83 = math.sqrt %max3A_82 : vector<512x1xf32>
    %le3A_84 = vector.broadcast %broadcast_in_dim3A_79 : vector<512x1xf32> to vector<512x512xf32>
    %le3A_85 = arith.cmpf ole, %select_n3A_76, %le3A_84 : vector<512x512xf32>
    %jit3A_86 = arith.constant 3.000000e+38 : f32
    %broadcast_in_dim3A_87 = vector.broadcast %jit3A_86 : f32 to vector<512x512xf32>
    %select_n3A_88 = arith.select %le3A_85, %convert_element_type3A, %broadcast_in_dim3A_87 : vector<512x512xi1>, vector<512x512xf32>
    %reduce_min3A_89 = arith.constant dense<0x7F800000> : vector<512xf32>
    %reduce_min3A_90 = vector.multi_reduction <minimumf>, %select_n3A_88, %reduce_min3A_89 [1] : vector<512x512xf32> to vector<512xf32>
    %broadcast_in_dim3A_91 = vector.shape_cast %reduce_min3A_90 : vector<512xf32> to vector<512x1xf32>
    %eq3A_92 = vector.broadcast %broadcast_in_dim3A_91 : vector<512x1xf32> to vector<512x512xf32>
    %eq3A_93 = arith.cmpf oeq, %convert_element_type3A, %eq3A_92 : vector<512x512xf32>
    %jit3A_94 = arith.constant 3.000000e+38 : f32
    %broadcast_in_dim3A_95 = vector.broadcast %jit3A_94 : f32 to vector<512x512xf32>
    %select_n3A_96 = arith.select %eq3A_93, %broadcast_in_dim3A_95, %select_n3A_76 : vector<512x512xi1>, vector<512x512xf32>
    %reduce_min3A_97 = arith.constant dense<0x7F800000> : vector<512xf32>
    %reduce_min3A_98 = vector.multi_reduction <minimumf>, %select_n3A_96, %reduce_min3A_97 [1] : vector<512x512xf32> to vector<512xf32>
    %broadcast_in_dim3A_99 = vector.shape_cast %reduce_min3A_98 : vector<512xf32> to vector<512x1xf32>
    %max3A_100 = arith.constant 0.000000e+00 : f32
    %max3A_101 = vector.broadcast %max3A_100 : f32 to vector<512x1xf32>
    %max3A_102 = arith.maximumf %broadcast_in_dim3A_99, %max3A_101 : vector<512x1xf32>
    %sqrt3A_103 = math.sqrt %max3A_102 : vector<512x1xf32>
    %le3A_104 = vector.broadcast %broadcast_in_dim3A_99 : vector<512x1xf32> to vector<512x512xf32>
    %le3A_105 = arith.cmpf ole, %select_n3A_96, %le3A_104 : vector<512x512xf32>
    %jit3A_106 = arith.constant 3.000000e+38 : f32
    %broadcast_in_dim3A_107 = vector.broadcast %jit3A_106 : f32 to vector<512x512xf32>
    %select_n3A_108 = arith.select %le3A_105, %convert_element_type3A, %broadcast_in_dim3A_107 : vector<512x512xi1>, vector<512x512xf32>
    %reduce_min3A_109 = arith.constant dense<0x7F800000> : vector<512xf32>
    %reduce_min3A_110 = vector.multi_reduction <minimumf>, %select_n3A_108, %reduce_min3A_109 [1] : vector<512x512xf32> to vector<512xf32>
    %broadcast_in_dim3A_111 = vector.shape_cast %reduce_min3A_110 : vector<512xf32> to vector<512x1xf32>
    %eq3A_112 = vector.broadcast %broadcast_in_dim3A_111 : vector<512x1xf32> to vector<512x512xf32>
    %eq3A_113 = arith.cmpf oeq, %convert_element_type3A, %eq3A_112 : vector<512x512xf32>
    %jit3A_114 = arith.constant 3.000000e+38 : f32
    %broadcast_in_dim3A_115 = vector.broadcast %jit3A_114 : f32 to vector<512x512xf32>
    %select_n3A_116 = arith.select %eq3A_113, %broadcast_in_dim3A_115, %select_n3A_96 : vector<512x512xi1>, vector<512x512xf32>
    %reduce_min3A_117 = arith.constant dense<0x7F800000> : vector<512xf32>
    %reduce_min3A_118 = vector.multi_reduction <minimumf>, %select_n3A_116, %reduce_min3A_117 [1] : vector<512x512xf32> to vector<512xf32>
    %broadcast_in_dim3A_119 = vector.shape_cast %reduce_min3A_118 : vector<512xf32> to vector<512x1xf32>
    %max3A_120 = arith.constant 0.000000e+00 : f32
    %max3A_121 = vector.broadcast %max3A_120 : f32 to vector<512x1xf32>
    %max3A_122 = arith.maximumf %broadcast_in_dim3A_119, %max3A_121 : vector<512x1xf32>
    %sqrt3A_123 = math.sqrt %max3A_122 : vector<512x1xf32>
    %le3A_124 = vector.broadcast %broadcast_in_dim3A_119 : vector<512x1xf32> to vector<512x512xf32>
    %le3A_125 = arith.cmpf ole, %select_n3A_116, %le3A_124 : vector<512x512xf32>
    %jit3A_126 = arith.constant 3.000000e+38 : f32
    %broadcast_in_dim3A_127 = vector.broadcast %jit3A_126 : f32 to vector<512x512xf32>
    %select_n3A_128 = arith.select %le3A_125, %convert_element_type3A, %broadcast_in_dim3A_127 : vector<512x512xi1>, vector<512x512xf32>
    %reduce_min3A_129 = arith.constant dense<0x7F800000> : vector<512xf32>
    %reduce_min3A_130 = vector.multi_reduction <minimumf>, %select_n3A_128, %reduce_min3A_129 [1] : vector<512x512xf32> to vector<512xf32>
    %broadcast_in_dim3A_131 = vector.shape_cast %reduce_min3A_130 : vector<512xf32> to vector<512x1xf32>
    %eq3A_132 = vector.broadcast %broadcast_in_dim3A_131 : vector<512x1xf32> to vector<512x512xf32>
    %eq3A_133 = arith.cmpf oeq, %convert_element_type3A, %eq3A_132 : vector<512x512xf32>
    %jit3A_134 = arith.constant 3.000000e+38 : f32
    %broadcast_in_dim3A_135 = vector.broadcast %jit3A_134 : f32 to vector<512x512xf32>
    %select_n3A_136 = arith.select %eq3A_133, %broadcast_in_dim3A_135, %select_n3A_116 : vector<512x512xi1>, vector<512x512xf32>
    %reduce_min3A_137 = arith.constant dense<0x7F800000> : vector<512xf32>
    %reduce_min3A_138 = vector.multi_reduction <minimumf>, %select_n3A_136, %reduce_min3A_137 [1] : vector<512x512xf32> to vector<512xf32>
    %broadcast_in_dim3A_139 = vector.shape_cast %reduce_min3A_138 : vector<512xf32> to vector<512x1xf32>
    %max3A_140 = arith.constant 0.000000e+00 : f32
    %max3A_141 = vector.broadcast %max3A_140 : f32 to vector<512x1xf32>
    %max3A_142 = arith.maximumf %broadcast_in_dim3A_139, %max3A_141 : vector<512x1xf32>
    %sqrt3A_143 = math.sqrt %max3A_142 : vector<512x1xf32>
    %add3A_144 = arith.addf %sqrt3A, %sqrt3A_143 : vector<512x1xf32>
    %add3A_145 = arith.addf %add3A_144, %sqrt3A_103 : vector<512x1xf32>
    %add3A_146 = arith.addf %sqrt3A_83, %sqrt3A_123 : vector<512x1xf32>
    %add3A_147 = arith.addf %add3A_145, %add3A_146 : vector<512x1xf32>
    %mul3A_148 = arith.constant 2.000000e-01 : f32
    %mul3A_149 = vector.broadcast %mul3A_148 : f32 to vector<512x1xf32>
    %mul3A_150 = arith.mulf %add3A_147, %mul3A_149 : vector<512x1xf32>
    %get3A_151 = arith.constant 0 : index
    %get3A_152 = arith.constant 0 : index
    %get3A_153 = vector.load %arg3[%get3A_151, %get3A_152] : memref<512x1xf32, #tpu.memory_space<vmem>>, vector<512x1xf32>
    %dot_general3A_154 = arith.constant dense<0.000000e+00> : vector<512x1xf32>
    %dot_general3A_155 = tpu.matmul %get3A_3, %get3A_153, %dot_general3A_154 {dimension_numbers = #tpu.dot_dimension_numbers<[1], [0], [0], [1], [0, 0, 1, 1], [], []>, transpose_lhs_hint = false} : vector<512x512xf32>, vector<512x1xf32>, vector<512x1xf32> -> vector<512x1xf32>
    %get3A_156 = arith.constant 0 : index
    %get3A_157 = arith.constant 0 : index
    %get3A_158 = vector.load %arg4[%get3A_156, %get3A_157] : memref<1x1xf32, #tpu.memory_space<vmem>>, vector<1x1xf32>
    %get3A_159 = vector.extract %get3A_158[0, 0] : f32 from vector<1x1xf32>
    %add3A_160 = vector.broadcast %get3A_159 : f32 to vector<512x1xf32>
    %add3A_161 = arith.addf %dot_general3A_155, %add3A_160 : vector<512x1xf32>
    %logistic3A = arith.negf %add3A_161 : vector<512x1xf32>
    %logistic3A_162 = math.exp %logistic3A : vector<512x1xf32>
    %logistic3A_163 = arith.constant 1.000000e+00 : f32
    %logistic3A_164 = vector.broadcast %logistic3A_163 : f32 to vector<512x1xf32>
    %logistic3A_165 = arith.addf %logistic3A_164, %logistic3A_162 : vector<512x1xf32>
    %logistic3A_166 = arith.divf %logistic3A_164, %logistic3A_165 : vector<512x1xf32>
    %neg3A = arith.constant 0.000000e+00 : f32
    %neg3A_167 = vector.broadcast %neg3A : f32 to vector<512x1xf32>
    %neg3A_168 = arith.subf %neg3A_167, %mul3A_150 : vector<512x1xf32>
    %exp3A = math.exp %neg3A_168 : vector<512x1xf32>
    %mul3A_169 = arith.mulf %logistic3A_166, %exp3A : vector<512x1xf32>
    %broadcast_in_dim3A_170 = vector.shape_cast %mul3A_169 : vector<512x1xf32> to vector<512x1xf32>
    %broadcast_in_dim3A_171 = vector.broadcast %broadcast_in_dim3A_170 : vector<512x1xf32> to vector<512x8xf32>
    %transpose3A_172 = tpu.transpose %broadcast_in_dim3A_171, [1, 0] : vector<512x8xf32> -> vector<8x512xf32>
    %slice3A_173 = vector.extract_strided_slice %transpose3A_172 {offsets = [0, 0], sizes = [1, 512], strides = [1, 1]} : vector<8x512xf32> to vector<1x512xf32>
    %get3A_174 = arith.constant 0 : index
    %get3A_175 = arith.constant 0 : index
    %get3A_176 = arith.constant 0 : index
    %get3A_177 = vector.load %arg2[%get3A_174, %get3A_175, %get3A_176] : memref<1x1x512xi32, #tpu.memory_space<vmem>>, vector<1x1x512xi32>
    %get3A_178 = vector.shape_cast %get3A_177 : vector<1x1x512xi32> to vector<1x512xi32>
    %broadcast_in_dim3A_179 = vector.shape_cast %get3A_178 : vector<1x512xi32> to vector<1x512xi32>
    %broadcast_in_dim3A_180 = vector.broadcast %broadcast_in_dim3A_179 : vector<1x512xi32> to vector<8x512xi32>
    %transpose3A_181 = tpu.transpose %broadcast_in_dim3A_180, [1, 0] : vector<8x512xi32> -> vector<512x8xi32>
    %slice3A_182 = vector.extract_strided_slice %transpose3A_181 {offsets = [0, 0], sizes = [512, 1], strides = [1, 1]} : vector<512x8xi32> to vector<512x1xi32>
    %gt3A = vector.broadcast %slice3A_173 : vector<1x512xf32> to vector<512x512xf32>
    %gt3A_183 = vector.broadcast %mul3A_169 : vector<512x1xf32> to vector<512x512xf32>
    %gt3A_184 = arith.cmpf ogt, %gt3A, %gt3A_183 : vector<512x512xf32>
    %eq3A_185 = vector.broadcast %slice3A_173 : vector<1x512xf32> to vector<512x512xf32>
    %eq3A_186 = vector.broadcast %mul3A_169 : vector<512x1xf32> to vector<512x512xf32>
    %eq3A_187 = arith.cmpf oeq, %eq3A_185, %eq3A_186 : vector<512x512xf32>
    %lt3A = arith.cmpi slt, %iota3A_5, %iota3A : vector<512x512xi32>
    %and3A = arith.andi %eq3A_187, %lt3A : vector<512x512xi1>
    %or3A = arith.ori %gt3A_184, %and3A : vector<512x512xi1>
    %convert_element_type3A_188 = arith.extui %or3A : vector<512x512xi1> to vector<512x512xi32>
    %reduce_sum3A = arith.constant dense<0> : vector<512xi32>
    %reduce_sum3A_189 = vector.multi_reduction <add>, %convert_element_type3A_188, %reduce_sum3A [1] : vector<512x512xi32> to vector<512xi32>
    %broadcast_in_dim3A_190 = vector.shape_cast %reduce_sum3A_189 : vector<512xi32> to vector<512x1xi32>
    %eq3A_191 = vector.broadcast %broadcast_in_dim3A_190 : vector<512x1xi32> to vector<512x512xi32>
    %eq3A_192 = arith.cmpi eq, %eq3A_191, %iota3A_5 : vector<512x512xi32>
    %jit3A_193 = arith.constant 0 : i32
    %broadcast_in_dim3A_194 = vector.shape_cast %slice3A_182 : vector<512x1xi32> to vector<512x1xi32>
    %broadcast_in_dim3A_195 = vector.broadcast %broadcast_in_dim3A_194 : vector<512x1xi32> to vector<512x512xi32>
    %broadcast_in_dim3A_196 = vector.broadcast %jit3A_193 : i32 to vector<512x512xi32>
    %select_n3A_197 = arith.select %eq3A_192, %broadcast_in_dim3A_195, %broadcast_in_dim3A_196 : vector<512x512xi1>, vector<512x512xi32>
    %reduce_sum3A_198 = arith.constant dense<0> : vector<512xi32>
    %reduce_sum3A_199 = vector.multi_reduction <add>, %select_n3A_197, %reduce_sum3A_198 [0] : vector<512x512xi32> to vector<512xi32>
    %broadcast_in_dim3A_200 = vector.shape_cast %reduce_sum3A_199 : vector<512xi32> to vector<1x512xi32>
    %slice3A_201 = vector.extract_strided_slice %get3A_3 {offsets = [0, 0], sizes = [8, 512], strides = [1, 1]} : vector<512x512xf32> to vector<8x512xf32>
    %slice3A_202 = vector.extract_strided_slice %get3A_3 {offsets = [8, 0], sizes = [8, 512], strides = [1, 1]} : vector<512x512xf32> to vector<8x512xf32>
    %add3A_203 = arith.addf %slice3A_201, %slice3A_202 : vector<8x512xf32>
    %slice3A_204 = vector.extract_strided_slice %get3A_3 {offsets = [16, 0], sizes = [8, 512], strides = [1, 1]} : vector<512x512xf32> to vector<8x512xf32>
    %add3A_205 = arith.addf %add3A_203, %slice3A_204 : vector<8x512xf32>
    %slice3A_206 = vector.extract_strided_slice %get3A_3 {offsets = [24, 0], sizes = [8, 512], strides = [1, 1]} : vector<512x512xf32> to vector<8x512xf32>
    %add3A_207 = arith.addf %add3A_205, %slice3A_206 : vector<8x512xf32>
    %slice3A_208 = vector.extract_strided_slice %get3A_3 {offsets = [32, 0], sizes = [8, 512], strides = [1, 1]} : vector<512x512xf32> to vector<8x512xf32>
    %add3A_209 = arith.addf %add3A_207, %slice3A_208 : vector<8x512xf32>
    %slice3A_210 = vector.extract_strided_slice %get3A_3 {offsets = [40, 0], sizes = [8, 512], strides = [1, 1]} : vector<512x512xf32> to vector<8x512xf32>
    %add3A_211 = arith.addf %add3A_209, %slice3A_210 : vector<8x512xf32>
    %slice3A_212 = vector.extract_strided_slice %get3A_3 {offsets = [48, 0], sizes = [8, 512], strides = [1, 1]} : vector<512x512xf32> to vector<8x512xf32>
    %add3A_213 = arith.addf %add3A_211, %slice3A_212 : vector<8x512xf32>
    %slice3A_214 = vector.extract_strided_slice %get3A_3 {offsets = [56, 0], sizes = [8, 512], strides = [1, 1]} : vector<512x512xf32> to vector<8x512xf32>
    %add3A_215 = arith.addf %add3A_213, %slice3A_214 : vector<8x512xf32>
    %slice3A_216 = vector.extract_strided_slice %get3A_3 {offsets = [64, 0], sizes = [8, 512], strides = [1, 1]} : vector<512x512xf32> to vector<8x512xf32>
    %add3A_217 = arith.addf %add3A_215, %slice3A_216 : vector<8x512xf32>
    %slice3A_218 = vector.extract_strided_slice %get3A_3 {offsets = [72, 0], sizes = [8, 512], strides = [1, 1]} : vector<512x512xf32> to vector<8x512xf32>
    %add3A_219 = arith.addf %add3A_217, %slice3A_218 : vector<8x512xf32>
    %slice3A_220 = vector.extract_strided_slice %get3A_3 {offsets = [80, 0], sizes = [8, 512], strides = [1, 1]} : vector<512x512xf32> to vector<8x512xf32>
    %add3A_221 = arith.addf %add3A_219, %slice3A_220 : vector<8x512xf32>
    %slice3A_222 = vector.extract_strided_slice %get3A_3 {offsets = [88, 0], sizes = [8, 512], strides = [1, 1]} : vector<512x512xf32> to vector<8x512xf32>
    %add3A_223 = arith.addf %add3A_221, %slice3A_222 : vector<8x512xf32>
    %slice3A_224 = vector.extract_strided_slice %get3A_3 {offsets = [96, 0], sizes = [8, 512], strides = [1, 1]} : vector<512x512xf32> to vector<8x512xf32>
    %add3A_225 = arith.addf %add3A_223, %slice3A_224 : vector<8x512xf32>
    %slice3A_226 = vector.extract_strided_slice %get3A_3 {offsets = [104, 0], sizes = [8, 512], strides = [1, 1]} : vector<512x512xf32> to vector<8x512xf32>
    %add3A_227 = arith.addf %add3A_225, %slice3A_226 : vector<8x512xf32>
    %slice3A_228 = vector.extract_strided_slice %get3A_3 {offsets = [112, 0], sizes = [8, 512], strides = [1, 1]} : vector<512x512xf32> to vector<8x512xf32>
    %add3A_229 = arith.addf %add3A_227, %slice3A_228 : vector<8x512xf32>
    %slice3A_230 = vector.extract_strided_slice %get3A_3 {offsets = [120, 0], sizes = [8, 512], strides = [1, 1]} : vector<512x512xf32> to vector<8x512xf32>
    %add3A_231 = arith.addf %add3A_229, %slice3A_230 : vector<8x512xf32>
    %slice3A_232 = vector.extract_strided_slice %get3A_3 {offsets = [128, 0], sizes = [8, 512], strides = [1, 1]} : vector<512x512xf32> to vector<8x512xf32>
    %add3A_233 = arith.addf %add3A_231, %slice3A_232 : vector<8x512xf32>
    %slice3A_234 = vector.extract_strided_slice %get3A_3 {offsets = [136, 0], sizes = [8, 512], strides = [1, 1]} : vector<512x512xf32> to vector<8x512xf32>
    %add3A_235 = arith.addf %add3A_233, %slice3A_234 : vector<8x512xf32>
    %slice3A_236 = vector.extract_strided_slice %get3A_3 {offsets = [144, 0], sizes = [8, 512], strides = [1, 1]} : vector<512x512xf32> to vector<8x512xf32>
    %add3A_237 = arith.addf %add3A_235, %slice3A_236 : vector<8x512xf32>
    %slice3A_238 = vector.extract_strided_slice %get3A_3 {offsets = [152, 0], sizes = [8, 512], strides = [1, 1]} : vector<512x512xf32> to vector<8x512xf32>
    %add3A_239 = arith.addf %add3A_237, %slice3A_238 : vector<8x512xf32>
    %slice3A_240 = vector.extract_strided_slice %get3A_3 {offsets = [160, 0], sizes = [8, 512], strides = [1, 1]} : vector<512x512xf32> to vector<8x512xf32>
    %add3A_241 = arith.addf %add3A_239, %slice3A_240 : vector<8x512xf32>
    %slice3A_242 = vector.extract_strided_slice %get3A_3 {offsets = [168, 0], sizes = [8, 512], strides = [1, 1]} : vector<512x512xf32> to vector<8x512xf32>
    %add3A_243 = arith.addf %add3A_241, %slice3A_242 : vector<8x512xf32>
    %slice3A_244 = vector.extract_strided_slice %get3A_3 {offsets = [176, 0], sizes = [8, 512], strides = [1, 1]} : vector<512x512xf32> to vector<8x512xf32>
    %add3A_245 = arith.addf %add3A_243, %slice3A_244 : vector<8x512xf32>
    %slice3A_246 = vector.extract_strided_slice %get3A_3 {offsets = [184, 0], sizes = [8, 512], strides = [1, 1]} : vector<512x512xf32> to vector<8x512xf32>
    %add3A_247 = arith.addf %add3A_245, %slice3A_246 : vector<8x512xf32>
    %slice3A_248 = vector.extract_strided_slice %get3A_3 {offsets = [192, 0], sizes = [8, 512], strides = [1, 1]} : vector<512x512xf32> to vector<8x512xf32>
    %add3A_249 = arith.addf %add3A_247, %slice3A_248 : vector<8x512xf32>
    %slice3A_250 = vector.extract_strided_slice %get3A_3 {offsets = [200, 0], sizes = [8, 512], strides = [1, 1]} : vector<512x512xf32> to vector<8x512xf32>
    %add3A_251 = arith.addf %add3A_249, %slice3A_250 : vector<8x512xf32>
    %slice3A_252 = vector.extract_strided_slice %get3A_3 {offsets = [208, 0], sizes = [8, 512], strides = [1, 1]} : vector<512x512xf32> to vector<8x512xf32>
    %add3A_253 = arith.addf %add3A_251, %slice3A_252 : vector<8x512xf32>
    %slice3A_254 = vector.extract_strided_slice %get3A_3 {offsets = [216, 0], sizes = [8, 512], strides = [1, 1]} : vector<512x512xf32> to vector<8x512xf32>
    %add3A_255 = arith.addf %add3A_253, %slice3A_254 : vector<8x512xf32>
    %slice3A_256 = vector.extract_strided_slice %get3A_3 {offsets = [224, 0], sizes = [8, 512], strides = [1, 1]} : vector<512x512xf32> to vector<8x512xf32>
    %add3A_257 = arith.addf %add3A_255, %slice3A_256 : vector<8x512xf32>
    %slice3A_258 = vector.extract_strided_slice %get3A_3 {offsets = [232, 0], sizes = [8, 512], strides = [1, 1]} : vector<512x512xf32> to vector<8x512xf32>
    %add3A_259 = arith.addf %add3A_257, %slice3A_258 : vector<8x512xf32>
    %slice3A_260 = vector.extract_strided_slice %get3A_3 {offsets = [240, 0], sizes = [8, 512], strides = [1, 1]} : vector<512x512xf32> to vector<8x512xf32>
    %add3A_261 = arith.addf %add3A_259, %slice3A_260 : vector<8x512xf32>
    %slice3A_262 = vector.extract_strided_slice %get3A_3 {offsets = [248, 0], sizes = [8, 512], strides = [1, 1]} : vector<512x512xf32> to vector<8x512xf32>
    %add3A_263 = arith.addf %add3A_261, %slice3A_262 : vector<8x512xf32>
    %slice3A_264 = vector.extract_strided_slice %get3A_3 {offsets = [256, 0], sizes = [8, 512], strides = [1, 1]} : vector<512x512xf32> to vector<8x512xf32>
    %add3A_265 = arith.addf %add3A_263, %slice3A_264 : vector<8x512xf32>
    %slice3A_266 = vector.extract_strided_slice %get3A_3 {offsets = [264, 0], sizes = [8, 512], strides = [1, 1]} : vector<512x512xf32> to vector<8x512xf32>
    %add3A_267 = arith.addf %add3A_265, %slice3A_266 : vector<8x512xf32>
    %slice3A_268 = vector.extract_strided_slice %get3A_3 {offsets = [272, 0], sizes = [8, 512], strides = [1, 1]} : vector<512x512xf32> to vector<8x512xf32>
    %add3A_269 = arith.addf %add3A_267, %slice3A_268 : vector<8x512xf32>
    %slice3A_270 = vector.extract_strided_slice %get3A_3 {offsets = [280, 0], sizes = [8, 512], strides = [1, 1]} : vector<512x512xf32> to vector<8x512xf32>
    %add3A_271 = arith.addf %add3A_269, %slice3A_270 : vector<8x512xf32>
    %slice3A_272 = vector.extract_strided_slice %get3A_3 {offsets = [288, 0], sizes = [8, 512], strides = [1, 1]} : vector<512x512xf32> to vector<8x512xf32>
    %add3A_273 = arith.addf %add3A_271, %slice3A_272 : vector<8x512xf32>
    %slice3A_274 = vector.extract_strided_slice %get3A_3 {offsets = [296, 0], sizes = [8, 512], strides = [1, 1]} : vector<512x512xf32> to vector<8x512xf32>
    %add3A_275 = arith.addf %add3A_273, %slice3A_274 : vector<8x512xf32>
    %slice3A_276 = vector.extract_strided_slice %get3A_3 {offsets = [304, 0], sizes = [8, 512], strides = [1, 1]} : vector<512x512xf32> to vector<8x512xf32>
    %add3A_277 = arith.addf %add3A_275, %slice3A_276 : vector<8x512xf32>
    %slice3A_278 = vector.extract_strided_slice %get3A_3 {offsets = [312, 0], sizes = [8, 512], strides = [1, 1]} : vector<512x512xf32> to vector<8x512xf32>
    %add3A_279 = arith.addf %add3A_277, %slice3A_278 : vector<8x512xf32>
    %slice3A_280 = vector.extract_strided_slice %get3A_3 {offsets = [320, 0], sizes = [8, 512], strides = [1, 1]} : vector<512x512xf32> to vector<8x512xf32>
    %add3A_281 = arith.addf %add3A_279, %slice3A_280 : vector<8x512xf32>
    %slice3A_282 = vector.extract_strided_slice %get3A_3 {offsets = [328, 0], sizes = [8, 512], strides = [1, 1]} : vector<512x512xf32> to vector<8x512xf32>
    %add3A_283 = arith.addf %add3A_281, %slice3A_282 : vector<8x512xf32>
    %slice3A_284 = vector.extract_strided_slice %get3A_3 {offsets = [336, 0], sizes = [8, 512], strides = [1, 1]} : vector<512x512xf32> to vector<8x512xf32>
    %add3A_285 = arith.addf %add3A_283, %slice3A_284 : vector<8x512xf32>
    %slice3A_286 = vector.extract_strided_slice %get3A_3 {offsets = [344, 0], sizes = [8, 512], strides = [1, 1]} : vector<512x512xf32> to vector<8x512xf32>
    %add3A_287 = arith.addf %add3A_285, %slice3A_286 : vector<8x512xf32>
    %slice3A_288 = vector.extract_strided_slice %get3A_3 {offsets = [352, 0], sizes = [8, 512], strides = [1, 1]} : vector<512x512xf32> to vector<8x512xf32>
    %add3A_289 = arith.addf %add3A_287, %slice3A_288 : vector<8x512xf32>
    %slice3A_290 = vector.extract_strided_slice %get3A_3 {offsets = [360, 0], sizes = [8, 512], strides = [1, 1]} : vector<512x512xf32> to vector<8x512xf32>
    %add3A_291 = arith.addf %add3A_289, %slice3A_290 : vector<8x512xf32>
    %slice3A_292 = vector.extract_strided_slice %get3A_3 {offsets = [368, 0], sizes = [8, 512], strides = [1, 1]} : vector<512x512xf32> to vector<8x512xf32>
    %add3A_293 = arith.addf %add3A_291, %slice3A_292 : vector<8x512xf32>
    %slice3A_294 = vector.extract_strided_slice %get3A_3 {offsets = [376, 0], sizes = [8, 512], strides = [1, 1]} : vector<512x512xf32> to vector<8x512xf32>
    %add3A_295 = arith.addf %add3A_293, %slice3A_294 : vector<8x512xf32>
    %slice3A_296 = vector.extract_strided_slice %get3A_3 {offsets = [384, 0], sizes = [8, 512], strides = [1, 1]} : vector<512x512xf32> to vector<8x512xf32>
    %add3A_297 = arith.addf %add3A_295, %slice3A_296 : vector<8x512xf32>
    %slice3A_298 = vector.extract_strided_slice %get3A_3 {offsets = [392, 0], sizes = [8, 512], strides = [1, 1]} : vector<512x512xf32> to vector<8x512xf32>
    %add3A_299 = arith.addf %add3A_297, %slice3A_298 : vector<8x512xf32>
    %slice3A_300 = vector.extract_strided_slice %get3A_3 {offsets = [400, 0], sizes = [8, 512], strides = [1, 1]} : vector<512x512xf32> to vector<8x512xf32>
    %add3A_301 = arith.addf %add3A_299, %slice3A_300 : vector<8x512xf32>
    %slice3A_302 = vector.extract_strided_slice %get3A_3 {offsets = [408, 0], sizes = [8, 512], strides = [1, 1]} : vector<512x512xf32> to vector<8x512xf32>
    %add3A_303 = arith.addf %add3A_301, %slice3A_302 : vector<8x512xf32>
    %slice3A_304 = vector.extract_strided_slice %get3A_3 {offsets = [416, 0], sizes = [8, 512], strides = [1, 1]} : vector<512x512xf32> to vector<8x512xf32>
    %add3A_305 = arith.addf %add3A_303, %slice3A_304 : vector<8x512xf32>
    %slice3A_306 = vector.extract_strided_slice %get3A_3 {offsets = [424, 0], sizes = [8, 512], strides = [1, 1]} : vector<512x512xf32> to vector<8x512xf32>
    %add3A_307 = arith.addf %add3A_305, %slice3A_306 : vector<8x512xf32>
    %slice3A_308 = vector.extract_strided_slice %get3A_3 {offsets = [432, 0], sizes = [8, 512], strides = [1, 1]} : vector<512x512xf32> to vector<8x512xf32>
    %add3A_309 = arith.addf %add3A_307, %slice3A_308 : vector<8x512xf32>
    %slice3A_310 = vector.extract_strided_slice %get3A_3 {offsets = [440, 0], sizes = [8, 512], strides = [1, 1]} : vector<512x512xf32> to vector<8x512xf32>
    %add3A_311 = arith.addf %add3A_309, %slice3A_310 : vector<8x512xf32>
    %slice3A_312 = vector.extract_strided_slice %get3A_3 {offsets = [448, 0], sizes = [8, 512], strides = [1, 1]} : vector<512x512xf32> to vector<8x512xf32>
    %add3A_313 = arith.addf %add3A_311, %slice3A_312 : vector<8x512xf32>
    %slice3A_314 = vector.extract_strided_slice %get3A_3 {offsets = [456, 0], sizes = [8, 512], strides = [1, 1]} : vector<512x512xf32> to vector<8x512xf32>
    %add3A_315 = arith.addf %add3A_313, %slice3A_314 : vector<8x512xf32>
    %slice3A_316 = vector.extract_strided_slice %get3A_3 {offsets = [464, 0], sizes = [8, 512], strides = [1, 1]} : vector<512x512xf32> to vector<8x512xf32>
    %add3A_317 = arith.addf %add3A_315, %slice3A_316 : vector<8x512xf32>
    %slice3A_318 = vector.extract_strided_slice %get3A_3 {offsets = [472, 0], sizes = [8, 512], strides = [1, 1]} : vector<512x512xf32> to vector<8x512xf32>
    %add3A_319 = arith.addf %add3A_317, %slice3A_318 : vector<8x512xf32>
    %slice3A_320 = vector.extract_strided_slice %get3A_3 {offsets = [480, 0], sizes = [8, 512], strides = [1, 1]} : vector<512x512xf32> to vector<8x512xf32>
    %add3A_321 = arith.addf %add3A_319, %slice3A_320 : vector<8x512xf32>
    %slice3A_322 = vector.extract_strided_slice %get3A_3 {offsets = [488, 0], sizes = [8, 512], strides = [1, 1]} : vector<512x512xf32> to vector<8x512xf32>
    %add3A_323 = arith.addf %add3A_321, %slice3A_322 : vector<8x512xf32>
    %slice3A_324 = vector.extract_strided_slice %get3A_3 {offsets = [496, 0], sizes = [8, 512], strides = [1, 1]} : vector<512x512xf32> to vector<8x512xf32>
    %add3A_325 = arith.addf %add3A_323, %slice3A_324 : vector<8x512xf32>
    %slice3A_326 = vector.extract_strided_slice %get3A_3 {offsets = [504, 0], sizes = [8, 512], strides = [1, 1]} : vector<512x512xf32> to vector<8x512xf32>
    %add3A_327 = arith.addf %add3A_325, %slice3A_326 : vector<8x512xf32>
    %slice3A_328 = vector.extract_strided_slice %add3A_327 {offsets = [0, 0], sizes = [4, 512], strides = [1, 1]} : vector<8x512xf32> to vector<4x512xf32>
    %slice3A_329 = vector.extract_strided_slice %add3A_327 {offsets = [4, 0], sizes = [4, 512], strides = [1, 1]} : vector<8x512xf32> to vector<4x512xf32>
    %add3A_330 = arith.addf %slice3A_328, %slice3A_329 : vector<4x512xf32>
    %slice3A_331 = vector.extract_strided_slice %add3A_330 {offsets = [0, 0], sizes = [2, 512], strides = [1, 1]} : vector<4x512xf32> to vector<2x512xf32>
    %slice3A_332 = vector.extract_strided_slice %add3A_330 {offsets = [2, 0], sizes = [2, 512], strides = [1, 1]} : vector<4x512xf32> to vector<2x512xf32>
    %add3A_333 = arith.addf %slice3A_331, %slice3A_332 : vector<2x512xf32>
    %slice3A_334 = vector.extract_strided_slice %add3A_333 {offsets = [0, 0], sizes = [1, 512], strides = [1, 1]} : vector<2x512xf32> to vector<1x512xf32>
    %slice3A_335 = vector.extract_strided_slice %add3A_333 {offsets = [1, 0], sizes = [1, 512], strides = [1, 1]} : vector<2x512xf32> to vector<1x512xf32>
    %add3A_336 = arith.addf %slice3A_334, %slice3A_335 : vector<1x512xf32>
    %mul3A_337 = arith.constant 0.001953125 : f32
    %mul3A_338 = vector.broadcast %mul3A_337 : f32 to vector<1x512xf32>
    %mul3A_339 = arith.mulf %add3A_336, %mul3A_338 : vector<1x512xf32>
    %mul3A_340 = arith.mulf %mul3A_339, %mul3A_339 : vector<1x512xf32>
    %slice3A_341 = vector.extract_strided_slice %mul3A_340 {offsets = [0, 0], sizes = [1, 128], strides = [1, 1]} : vector<1x512xf32> to vector<1x128xf32>
    %slice3A_342 = vector.extract_strided_slice %mul3A_340 {offsets = [0, 128], sizes = [1, 128], strides = [1, 1]} : vector<1x512xf32> to vector<1x128xf32>
    %add3A_343 = arith.addf %slice3A_341, %slice3A_342 : vector<1x128xf32>
    %slice3A_344 = vector.extract_strided_slice %mul3A_340 {offsets = [0, 256], sizes = [1, 128], strides = [1, 1]} : vector<1x512xf32> to vector<1x128xf32>
    %add3A_345 = arith.addf %add3A_343, %slice3A_344 : vector<1x128xf32>
    %slice3A_346 = vector.extract_strided_slice %mul3A_340 {offsets = [0, 384], sizes = [1, 128], strides = [1, 1]} : vector<1x512xf32> to vector<1x128xf32>
    %add3A_347 = arith.addf %add3A_345, %slice3A_346 : vector<1x128xf32>
    %slice3A_348 = vector.extract_strided_slice %add3A_347 {offsets = [0, 0], sizes = [1, 8], strides = [1, 1]} : vector<1x128xf32> to vector<1x8xf32>
    %slice3A_349 = vector.extract_strided_slice %add3A_347 {offsets = [0, 8], sizes = [1, 8], strides = [1, 1]} : vector<1x128xf32> to vector<1x8xf32>
    %add3A_350 = arith.addf %slice3A_348, %slice3A_349 : vector<1x8xf32>
    %slice3A_351 = vector.extract_strided_slice %add3A_347 {offsets = [0, 16], sizes = [1, 8], strides = [1, 1]} : vector<1x128xf32> to vector<1x8xf32>
    %add3A_352 = arith.addf %add3A_350, %slice3A_351 : vector<1x8xf32>
    %slice3A_353 = vector.extract_strided_slice %add3A_347 {offsets = [0, 24], sizes = [1, 8], strides = [1, 1]} : vector<1x128xf32> to vector<1x8xf32>
    %add3A_354 = arith.addf %add3A_352, %slice3A_353 : vector<1x8xf32>
    %slice3A_355 = vector.extract_strided_slice %add3A_347 {offsets = [0, 32], sizes = [1, 8], strides = [1, 1]} : vector<1x128xf32> to vector<1x8xf32>
    %add3A_356 = arith.addf %add3A_354, %slice3A_355 : vector<1x8xf32>
    %slice3A_357 = vector.extract_strided_slice %add3A_347 {offsets = [0, 40], sizes = [1, 8], strides = [1, 1]} : vector<1x128xf32> to vector<1x8xf32>
    %add3A_358 = arith.addf %add3A_356, %slice3A_357 : vector<1x8xf32>
    %slice3A_359 = vector.extract_strided_slice %add3A_347 {offsets = [0, 48], sizes = [1, 8], strides = [1, 1]} : vector<1x128xf32> to vector<1x8xf32>
    %add3A_360 = arith.addf %add3A_358, %slice3A_359 : vector<1x8xf32>
    %slice3A_361 = vector.extract_strided_slice %add3A_347 {offsets = [0, 56], sizes = [1, 8], strides = [1, 1]} : vector<1x128xf32> to vector<1x8xf32>
    %add3A_362 = arith.addf %add3A_360, %slice3A_361 : vector<1x8xf32>
    %slice3A_363 = vector.extract_strided_slice %add3A_347 {offsets = [0, 64], sizes = [1, 8], strides = [1, 1]} : vector<1x128xf32> to vector<1x8xf32>
    %add3A_364 = arith.addf %add3A_362, %slice3A_363 : vector<1x8xf32>
    %slice3A_365 = vector.extract_strided_slice %add3A_347 {offsets = [0, 72], sizes = [1, 8], strides = [1, 1]} : vector<1x128xf32> to vector<1x8xf32>
    %add3A_366 = arith.addf %add3A_364, %slice3A_365 : vector<1x8xf32>
    %slice3A_367 = vector.extract_strided_slice %add3A_347 {offsets = [0, 80], sizes = [1, 8], strides = [1, 1]} : vector<1x128xf32> to vector<1x8xf32>
    %add3A_368 = arith.addf %add3A_366, %slice3A_367 : vector<1x8xf32>
    %slice3A_369 = vector.extract_strided_slice %add3A_347 {offsets = [0, 88], sizes = [1, 8], strides = [1, 1]} : vector<1x128xf32> to vector<1x8xf32>
    %add3A_370 = arith.addf %add3A_368, %slice3A_369 : vector<1x8xf32>
    %slice3A_371 = vector.extract_strided_slice %add3A_347 {offsets = [0, 96], sizes = [1, 8], strides = [1, 1]} : vector<1x128xf32> to vector<1x8xf32>
    %add3A_372 = arith.addf %add3A_370, %slice3A_371 : vector<1x8xf32>
    %slice3A_373 = vector.extract_strided_slice %add3A_347 {offsets = [0, 104], sizes = [1, 8], strides = [1, 1]} : vector<1x128xf32> to vector<1x8xf32>
    %add3A_374 = arith.addf %add3A_372, %slice3A_373 : vector<1x8xf32>
    %slice3A_375 = vector.extract_strided_slice %add3A_347 {offsets = [0, 112], sizes = [1, 8], strides = [1, 1]} : vector<1x128xf32> to vector<1x8xf32>
    %add3A_376 = arith.addf %add3A_374, %slice3A_375 : vector<1x8xf32>
    %slice3A_377 = vector.extract_strided_slice %add3A_347 {offsets = [0, 120], sizes = [1, 8], strides = [1, 1]} : vector<1x128xf32> to vector<1x8xf32>
    %add3A_378 = arith.addf %add3A_376, %slice3A_377 : vector<1x8xf32>
    %slice3A_379 = vector.extract_strided_slice %add3A_378 {offsets = [0, 0], sizes = [1, 4], strides = [1, 1]} : vector<1x8xf32> to vector<1x4xf32>
    %slice3A_380 = vector.extract_strided_slice %add3A_378 {offsets = [0, 4], sizes = [1, 4], strides = [1, 1]} : vector<1x8xf32> to vector<1x4xf32>
    %add3A_381 = arith.addf %slice3A_379, %slice3A_380 : vector<1x4xf32>
    %slice3A_382 = vector.extract_strided_slice %add3A_381 {offsets = [0, 0], sizes = [1, 2], strides = [1, 1]} : vector<1x4xf32> to vector<1x2xf32>
    %slice3A_383 = vector.extract_strided_slice %add3A_381 {offsets = [0, 2], sizes = [1, 2], strides = [1, 1]} : vector<1x4xf32> to vector<1x2xf32>
    %add3A_384 = arith.addf %slice3A_382, %slice3A_383 : vector<1x2xf32>
    %slice3A_385 = vector.extract_strided_slice %add3A_384 {offsets = [0, 0], sizes = [1, 1], strides = [1, 1]} : vector<1x2xf32> to vector<1x1xf32>
    %slice3A_386 = vector.extract_strided_slice %add3A_384 {offsets = [0, 1], sizes = [1, 1], strides = [1, 1]} : vector<1x2xf32> to vector<1x1xf32>
    %add3A_387 = arith.addf %slice3A_385, %slice3A_386 : vector<1x1xf32>
    %sqrt3A_388 = math.sqrt %add3A_387 : vector<1x1xf32>
    %add3A_389 = arith.constant 9.99999993E-9 : f32
    %add3A_390 = vector.broadcast %add3A_389 : f32 to vector<1x1xf32>
    %add3A_391 = arith.addf %sqrt3A_388, %add3A_390 : vector<1x1xf32>
    %div3A = vector.broadcast %add3A_391 : vector<1x1xf32> to vector<1x512xf32>
    %div3A_392 = arith.divf %mul3A_339, %div3A : vector<1x512xf32>
    %swap3A = arith.constant 0 : index
    %swap3A_393 = arith.constant 0 : index
    %swap3A_394 = arith.constant 0 : index
    %swap3A_395 = vector.load %arg5[%swap3A, %swap3A_393, %swap3A_394] : memref<1x1x512xi32, #tpu.memory_space<vmem>>, vector<1x1x512xi32>
    %swap3A_396 = vector.shape_cast %swap3A_395 : vector<1x1x512xi32> to vector<1x512xi32>
    %swap3A_397 = vector.shape_cast %broadcast_in_dim3A_200 : vector<1x512xi32> to vector<1x1x512xi32>
    tpu.vector_store %arg5[%swap3A, %swap3A_393, %swap3A_394], %swap3A_397 {strides = array<i32>} : memref<1x1x512xi32, #tpu.memory_space<vmem>>, vector<1x1x512xi32>,
    %swap3A_398 = arith.constant 0 : index
    %swap3A_399 = arith.constant 0 : index
    %swap3A_400 = arith.constant 0 : index
    %swap3A_401 = vector.load %arg6[%swap3A_398, %swap3A_399, %swap3A_400] : memref<1x1x512xf32, #tpu.memory_space<vmem>>, vector<1x1x512xf32>
    %swap3A_402 = vector.shape_cast %swap3A_401 : vector<1x1x512xf32> to vector<1x512xf32>
    %swap3A_403 = vector.shape_cast %slice3A_173 : vector<1x512xf32> to vector<1x1x512xf32>
    tpu.vector_store %arg6[%swap3A_398, %swap3A_399, %swap3A_400], %swap3A_403 {strides = array<i32>} : memref<1x1x512xf32, #tpu.memory_space<vmem>>, vector<1x1x512xf32>,
    %swap3A_404 = arith.index_cast %arg0 : i32 to index
    %swap3A_405 = arith.constant 0 : index
    %swap3A_406 = vector.load %arg7[%swap3A_404, %swap3A_405] : memref<32x512xf32, #tpu.memory_space<vmem>>, vector<1x512xf32>
    tpu.vector_store %arg7[%swap3A_404, %swap3A_405], %div3A_392 {strides = array<i32>} : memref<32x512xf32, #tpu.memory_space<vmem>>, vector<1x512xf32>,
    return
  }
  func.func @transform_0(%arg0: i32) -> (i32, i32, i32) {
    %c0_i32 = arith.constant 0 : i32
    %c0_i32_0 = arith.constant 0 : i32
    %c0_i32_1 = arith.constant 0 : i32
    return %arg0, %c0_i32, %c0_i32_0 : i32, i32, i32
  }
  func.func @transform_1(%arg0: i32) -> (i32, i32, i32) {
    %c0_i32 = arith.constant 0 : i32
    %c0_i32_0 = arith.constant 0 : i32
    %c0_i32_1 = arith.constant 0 : i32
    return %arg0, %c0_i32, %c0_i32_0 : i32, i32, i32
  }
  func.func @transform_2(%arg0: i32) -> (i32, i32) {
    %c0_i32 = arith.constant 0 : i32
    %c0_i32_0 = arith.constant 0 : i32
    %c0_i32_1 = arith.constant 0 : i32
    return %c0_i32, %c0_i32_0 : i32, i32
  }
  func.func @transform_3(%arg0: i32) -> (i32, i32) {
    %c0_i32 = arith.constant 0 : i32
    %c0_i32_0 = arith.constant 0 : i32
    %c0_i32_1 = arith.constant 0 : i32
    return %c0_i32, %c0_i32_0 : i32, i32
  }
  func.func @transform_4(%arg0: i32) -> (i32, i32, i32) {
    %c0_i32 = arith.constant 0 : i32
    %c0_i32_0 = arith.constant 0 : i32
    %c0_i32_1 = arith.constant 0 : i32
    return %arg0, %c0_i32, %c0_i32_0 : i32, i32, i32
  }
  func.func @transform_5(%arg0: i32) -> (i32, i32, i32) {
    %c0_i32 = arith.constant 0 : i32
    %c0_i32_0 = arith.constant 0 : i32
    %c0_i32_1 = arith.constant 0 : i32
    return %arg0, %c0_i32, %c0_i32_0 : i32, i32, i32
  }
  func.func @transform_6(%arg0: i32) -> (i32, i32) {
    %c0_i32 = arith.constant 0 : i32
    %c0_i32_0 = arith.constant 0 : i32
    %c0_i32_1 = arith.constant 0 : i32
    return %c0_i32, %c0_i32_0 : i32, i32
  }
}

module attributes {stable_mosaic.version = 14 : i64} {
  func.func @_stage3_body(%arg0: i32, %arg1: memref<32x512xf32, #tpu.memory_space<vmem>>, %arg2: memref<5000x512xf32, #tpu.memory_space<vmem>>, %arg3: memref<32x16xi32, #tpu.memory_space<vmem>>, %arg4: memref<32x16xf32, #tpu.memory_space<vmem>>, %arg5: memref<32x16xi32, #tpu.memory_space<vmem>>) attributes {dimension_semantics = [#tpu.dimension_semantics<arbitrary>], iteration_bounds = array<i64: 20>, scalar_prefetch = 0 : i64, scratch_operands = 2 : i64, tpu.core_type = #tpu.core_type<tc>, window_params = [{pipeline_mode = #tpu.pipeline_mode<synchronous>, transform_indices = @transform_0, window_bounds = array<i64: 32, 512>}, {transform_indices = @transform_1, window_bounds = array<i64: 5000, 512>}, {pipeline_mode = #tpu.pipeline_mode<synchronous>, transform_indices = @transform_2, window_bounds = array<i64: 32, 16>}]} {
    %get3A = arith.constant 0 : index
    %get3A_0 = arith.constant 0 : index
    %get3A_1 = vector.load %arg1[%get3A, %get3A_0] : memref<32x512xf32, #tpu.memory_space<vmem>>, vector<32x512xf32>
    %eq3A = arith.constant 0 : i32
    %eq3A_2 = arith.cmpi eq, %arg0, %eq3A : i32
    %convert_element_type3A = arith.extui %eq3A_2 : i1 to i32
    %cond3A = arith.constant 0 : i32
    %cond3A_3 = arith.cmpi ne, %convert_element_type3A, %cond3A : i32
    scf.if %cond3A_3 {
      %broadcast_in_dim3A_373 = arith.constant -3.000000e+38 : f32
      %broadcast_in_dim3A_374 = vector.broadcast %broadcast_in_dim3A_373 : f32 to vector<32x16xf32>
      %swap3A_375 = arith.constant 0 : index
      %swap3A_376 = arith.constant 0 : index
      %swap3A_377 = vector.load %arg4[%swap3A_375, %swap3A_376] : memref<32x16xf32, #tpu.memory_space<vmem>>, vector<32x16xf32>
      tpu.vector_store %arg4[%swap3A_375, %swap3A_376], %broadcast_in_dim3A_374 {strides = array<i32>} : memref<32x16xf32, #tpu.memory_space<vmem>>, vector<32x16xf32>,
      %broadcast_in_dim3A_378 = arith.constant 0 : i32
      %broadcast_in_dim3A_379 = vector.broadcast %broadcast_in_dim3A_378 : i32 to vector<32x16xi32>
      %swap3A_380 = arith.constant 0 : index
      %swap3A_381 = arith.constant 0 : index
      %swap3A_382 = vector.load %arg5[%swap3A_380, %swap3A_381] : memref<32x16xi32, #tpu.memory_space<vmem>>, vector<32x16xi32>
      tpu.vector_store %arg5[%swap3A_380, %swap3A_381], %broadcast_in_dim3A_379 {strides = array<i32>} : memref<32x16xi32, #tpu.memory_space<vmem>>, vector<32x16xi32>,
    } else {
    }
    %get3A_4 = arith.constant 0 : index
    %get3A_5 = arith.constant 0 : index
    %get3A_6 = vector.load %arg2[%get3A_4, %get3A_5] : memref<5000x512xf32, #tpu.memory_space<vmem>>, vector<5000x512xf32>
    %mul3A = arith.mulf %get3A_6, %get3A_6 : vector<5000x512xf32>
    %slice3A = vector.extract_strided_slice %mul3A {offsets = [0, 0], sizes = [5000, 128], strides = [1, 1]} : vector<5000x512xf32> to vector<5000x128xf32>
    %slice3A_7 = vector.extract_strided_slice %mul3A {offsets = [0, 128], sizes = [5000, 128], strides = [1, 1]} : vector<5000x512xf32> to vector<5000x128xf32>
    %add3A = arith.addf %slice3A, %slice3A_7 : vector<5000x128xf32>
    %slice3A_8 = vector.extract_strided_slice %mul3A {offsets = [0, 256], sizes = [5000, 128], strides = [1, 1]} : vector<5000x512xf32> to vector<5000x128xf32>
    %add3A_9 = arith.addf %add3A, %slice3A_8 : vector<5000x128xf32>
    %slice3A_10 = vector.extract_strided_slice %mul3A {offsets = [0, 384], sizes = [5000, 128], strides = [1, 1]} : vector<5000x512xf32> to vector<5000x128xf32>
    %add3A_11 = arith.addf %add3A_9, %slice3A_10 : vector<5000x128xf32>
    %transpose3A = tpu.transpose %add3A_11, [1, 0] : vector<5000x128xf32> -> vector<128x5000xf32>
    %slice3A_12 = vector.extract_strided_slice %transpose3A {offsets = [0, 0], sizes = [8, 5000], strides = [1, 1]} : vector<128x5000xf32> to vector<8x5000xf32>
    %slice3A_13 = vector.extract_strided_slice %transpose3A {offsets = [8, 0], sizes = [8, 5000], strides = [1, 1]} : vector<128x5000xf32> to vector<8x5000xf32>
    %add3A_14 = arith.addf %slice3A_12, %slice3A_13 : vector<8x5000xf32>
    %slice3A_15 = vector.extract_strided_slice %transpose3A {offsets = [16, 0], sizes = [8, 5000], strides = [1, 1]} : vector<128x5000xf32> to vector<8x5000xf32>
    %add3A_16 = arith.addf %add3A_14, %slice3A_15 : vector<8x5000xf32>
    %slice3A_17 = vector.extract_strided_slice %transpose3A {offsets = [24, 0], sizes = [8, 5000], strides = [1, 1]} : vector<128x5000xf32> to vector<8x5000xf32>
    %add3A_18 = arith.addf %add3A_16, %slice3A_17 : vector<8x5000xf32>
    %slice3A_19 = vector.extract_strided_slice %transpose3A {offsets = [32, 0], sizes = [8, 5000], strides = [1, 1]} : vector<128x5000xf32> to vector<8x5000xf32>
    %add3A_20 = arith.addf %add3A_18, %slice3A_19 : vector<8x5000xf32>
    %slice3A_21 = vector.extract_strided_slice %transpose3A {offsets = [40, 0], sizes = [8, 5000], strides = [1, 1]} : vector<128x5000xf32> to vector<8x5000xf32>
    %add3A_22 = arith.addf %add3A_20, %slice3A_21 : vector<8x5000xf32>
    %slice3A_23 = vector.extract_strided_slice %transpose3A {offsets = [48, 0], sizes = [8, 5000], strides = [1, 1]} : vector<128x5000xf32> to vector<8x5000xf32>
    %add3A_24 = arith.addf %add3A_22, %slice3A_23 : vector<8x5000xf32>
    %slice3A_25 = vector.extract_strided_slice %transpose3A {offsets = [56, 0], sizes = [8, 5000], strides = [1, 1]} : vector<128x5000xf32> to vector<8x5000xf32>
    %add3A_26 = arith.addf %add3A_24, %slice3A_25 : vector<8x5000xf32>
    %slice3A_27 = vector.extract_strided_slice %transpose3A {offsets = [64, 0], sizes = [8, 5000], strides = [1, 1]} : vector<128x5000xf32> to vector<8x5000xf32>
    %add3A_28 = arith.addf %add3A_26, %slice3A_27 : vector<8x5000xf32>
    %slice3A_29 = vector.extract_strided_slice %transpose3A {offsets = [72, 0], sizes = [8, 5000], strides = [1, 1]} : vector<128x5000xf32> to vector<8x5000xf32>
    %add3A_30 = arith.addf %add3A_28, %slice3A_29 : vector<8x5000xf32>
    %slice3A_31 = vector.extract_strided_slice %transpose3A {offsets = [80, 0], sizes = [8, 5000], strides = [1, 1]} : vector<128x5000xf32> to vector<8x5000xf32>
    %add3A_32 = arith.addf %add3A_30, %slice3A_31 : vector<8x5000xf32>
    %slice3A_33 = vector.extract_strided_slice %transpose3A {offsets = [88, 0], sizes = [8, 5000], strides = [1, 1]} : vector<128x5000xf32> to vector<8x5000xf32>
    %add3A_34 = arith.addf %add3A_32, %slice3A_33 : vector<8x5000xf32>
    %slice3A_35 = vector.extract_strided_slice %transpose3A {offsets = [96, 0], sizes = [8, 5000], strides = [1, 1]} : vector<128x5000xf32> to vector<8x5000xf32>
    %add3A_36 = arith.addf %add3A_34, %slice3A_35 : vector<8x5000xf32>
    %slice3A_37 = vector.extract_strided_slice %transpose3A {offsets = [104, 0], sizes = [8, 5000], strides = [1, 1]} : vector<128x5000xf32> to vector<8x5000xf32>
    %add3A_38 = arith.addf %add3A_36, %slice3A_37 : vector<8x5000xf32>
    %slice3A_39 = vector.extract_strided_slice %transpose3A {offsets = [112, 0], sizes = [8, 5000], strides = [1, 1]} : vector<128x5000xf32> to vector<8x5000xf32>
    %add3A_40 = arith.addf %add3A_38, %slice3A_39 : vector<8x5000xf32>
    %slice3A_41 = vector.extract_strided_slice %transpose3A {offsets = [120, 0], sizes = [8, 5000], strides = [1, 1]} : vector<128x5000xf32> to vector<8x5000xf32>
    %add3A_42 = arith.addf %add3A_40, %slice3A_41 : vector<8x5000xf32>
    %slice3A_43 = vector.extract_strided_slice %add3A_42 {offsets = [0, 0], sizes = [4, 5000], strides = [1, 1]} : vector<8x5000xf32> to vector<4x5000xf32>
    %slice3A_44 = vector.extract_strided_slice %add3A_42 {offsets = [4, 0], sizes = [4, 5000], strides = [1, 1]} : vector<8x5000xf32> to vector<4x5000xf32>
    %add3A_45 = arith.addf %slice3A_43, %slice3A_44 : vector<4x5000xf32>
    %slice3A_46 = vector.extract_strided_slice %add3A_45 {offsets = [0, 0], sizes = [2, 5000], strides = [1, 1]} : vector<4x5000xf32> to vector<2x5000xf32>
    %slice3A_47 = vector.extract_strided_slice %add3A_45 {offsets = [2, 0], sizes = [2, 5000], strides = [1, 1]} : vector<4x5000xf32> to vector<2x5000xf32>
    %add3A_48 = arith.addf %slice3A_46, %slice3A_47 : vector<2x5000xf32>
    %slice3A_49 = vector.extract_strided_slice %add3A_48 {offsets = [0, 0], sizes = [1, 5000], strides = [1, 1]} : vector<2x5000xf32> to vector<1x5000xf32>
    %slice3A_50 = vector.extract_strided_slice %add3A_48 {offsets = [1, 0], sizes = [1, 5000], strides = [1, 1]} : vector<2x5000xf32> to vector<1x5000xf32>
    %add3A_51 = arith.addf %slice3A_49, %slice3A_50 : vector<1x5000xf32>
    %broadcast_in_dim3A = vector.shape_cast %add3A_51 : vector<1x5000xf32> to vector<1x5000xf32>
    %broadcast_in_dim3A_52 = vector.broadcast %broadcast_in_dim3A : vector<1x5000xf32> to vector<8x5000xf32>
    %transpose3A_53 = tpu.transpose %broadcast_in_dim3A_52, [1, 0] : vector<8x5000xf32> -> vector<5000x8xf32>
    %slice3A_54 = vector.extract_strided_slice %transpose3A_53 {offsets = [0, 0], sizes = [5000, 1], strides = [1, 1]} : vector<5000x8xf32> to vector<5000x1xf32>
    %sqrt3A = math.sqrt %slice3A_54 : vector<5000x1xf32>
    %add3A_55 = arith.constant 9.99999993E-9 : f32
    %add3A_56 = vector.broadcast %add3A_55 : f32 to vector<5000x1xf32>
    %add3A_57 = arith.addf %sqrt3A, %add3A_56 : vector<5000x1xf32>
    %div3A = vector.broadcast %add3A_57 : vector<5000x1xf32> to vector<5000x512xf32>
    %div3A_58 = arith.divf %get3A_6, %div3A : vector<5000x512xf32>
    %dot_general3A = arith.constant dense<0.000000e+00> : vector<32x5000xf32>
    %dot_general3A_59 = tpu.matmul %get3A_1, %div3A_58, %dot_general3A {dimension_numbers = #tpu.dot_dimension_numbers<[1], [1], [0], [0], [0, 0, 1, 0], [], []>, transpose_lhs_hint = false} : vector<32x512xf32>, vector<5000x512xf32>, vector<32x5000xf32> -> vector<32x5000xf32>
    %iota3A = tpu.iota {dimensions = array<i32: 1>} : vector<32x5000xi32>
    %convert_element_type3A_60 = arith.sitofp %iota3A : vector<32x5000xi32> to vector<32x5000xf32>
    %iota3A_61 = tpu.iota {dimensions = array<i32: 1>} : vector<32x16xi32>
    %get3A_62 = arith.constant 0 : index
    %get3A_63 = arith.constant 0 : index
    %get3A_64 = vector.load %arg4[%get3A_62, %get3A_63] : memref<32x16xf32, #tpu.memory_space<vmem>>, vector<32x16xf32>
    %get3A_65 = arith.constant 0 : index
    %get3A_66 = arith.constant 0 : index
    %get3A_67 = vector.load %arg5[%get3A_65, %get3A_66] : memref<32x16xi32, #tpu.memory_space<vmem>>, vector<32x16xi32>
    %mul3A_68 = arith.constant 5000 : i32
    %mul3A_69 = arith.muli %arg0, %mul3A_68 : i32
    %reduce_max3A = arith.constant dense<0xFF800000> : vector<32xf32>
    %reduce_max3A_70 = vector.multi_reduction <maximumf>, %dot_general3A_59, %reduce_max3A [1] : vector<32x5000xf32> to vector<32xf32>
    %broadcast_in_dim3A_71 = vector.shape_cast %reduce_max3A_70 : vector<32xf32> to vector<32x1xf32>
    %ge3A = vector.broadcast %broadcast_in_dim3A_71 : vector<32x1xf32> to vector<32x5000xf32>
    %ge3A_72 = arith.cmpf oge, %dot_general3A_59, %ge3A : vector<32x5000xf32>
    %jit3A = arith.constant 3.000000e+38 : f32
    %broadcast_in_dim3A_73 = vector.broadcast %jit3A : f32 to vector<32x5000xf32>
    %select_n3A = arith.select %ge3A_72, %convert_element_type3A_60, %broadcast_in_dim3A_73 : vector<32x5000xi1>, vector<32x5000xf32>
    %reduce_min3A = arith.constant dense<0x7F800000> : vector<32xf32>
    %reduce_min3A_74 = vector.multi_reduction <minimumf>, %select_n3A, %reduce_min3A [1] : vector<32x5000xf32> to vector<32xf32>
    %broadcast_in_dim3A_75 = vector.shape_cast %reduce_min3A_74 : vector<32xf32> to vector<32x1xf32>
    %eq3A_76 = vector.broadcast %broadcast_in_dim3A_75 : vector<32x1xf32> to vector<32x5000xf32>
    %eq3A_77 = arith.cmpf oeq, %convert_element_type3A_60, %eq3A_76 : vector<32x5000xf32>
    %jit3A_78 = arith.constant -3.000000e+38 : f32
    %broadcast_in_dim3A_79 = vector.broadcast %jit3A_78 : f32 to vector<32x5000xf32>
    %select_n3A_80 = arith.select %eq3A_77, %broadcast_in_dim3A_79, %dot_general3A_59 : vector<32x5000xi1>, vector<32x5000xf32>
    %eq3A_81 = arith.constant 8 : i32
    %eq3A_82 = vector.broadcast %eq3A_81 : i32 to vector<32x16xi32>
    %eq3A_83 = arith.cmpi eq, %iota3A_61, %eq3A_82 : vector<32x16xi32>
    %broadcast_in_dim3A_84 = vector.shape_cast %broadcast_in_dim3A_71 : vector<32x1xf32> to vector<32x1xf32>
    %broadcast_in_dim3A_85 = vector.broadcast %broadcast_in_dim3A_84 : vector<32x1xf32> to vector<32x16xf32>
    %select_n3A_86 = arith.select %eq3A_83, %broadcast_in_dim3A_85, %get3A_64 : vector<32x16xi1>, vector<32x16xf32>
    %eq3A_87 = arith.constant 8 : i32
    %eq3A_88 = vector.broadcast %eq3A_87 : i32 to vector<32x16xi32>
    %eq3A_89 = arith.cmpi eq, %iota3A_61, %eq3A_88 : vector<32x16xi32>
    %convert_element_type3A_90 = arith.fptosi %broadcast_in_dim3A_75 : vector<32x1xf32> to vector<32x1xi32>
    %add3A_91 = vector.broadcast %mul3A_69 : i32 to vector<32x1xi32>
    %add3A_92 = arith.addi %add3A_91, %convert_element_type3A_90 : vector<32x1xi32>
    %broadcast_in_dim3A_93 = vector.shape_cast %add3A_92 : vector<32x1xi32> to vector<32x1xi32>
    %broadcast_in_dim3A_94 = vector.broadcast %broadcast_in_dim3A_93 : vector<32x1xi32> to vector<32x16xi32>
    %select_n3A_95 = arith.select %eq3A_89, %broadcast_in_dim3A_94, %get3A_67 : vector<32x16xi1>, vector<32x16xi32>
    %reduce_max3A_96 = arith.constant dense<0xFF800000> : vector<32xf32>
    %reduce_max3A_97 = vector.multi_reduction <maximumf>, %select_n3A_80, %reduce_max3A_96 [1] : vector<32x5000xf32> to vector<32xf32>
    %broadcast_in_dim3A_98 = vector.shape_cast %reduce_max3A_97 : vector<32xf32> to vector<32x1xf32>
    %ge3A_99 = vector.broadcast %broadcast_in_dim3A_98 : vector<32x1xf32> to vector<32x5000xf32>
    %ge3A_100 = arith.cmpf oge, %select_n3A_80, %ge3A_99 : vector<32x5000xf32>
    %jit3A_101 = arith.constant 3.000000e+38 : f32
    %broadcast_in_dim3A_102 = vector.broadcast %jit3A_101 : f32 to vector<32x5000xf32>
    %select_n3A_103 = arith.select %ge3A_100, %convert_element_type3A_60, %broadcast_in_dim3A_102 : vector<32x5000xi1>, vector<32x5000xf32>
    %reduce_min3A_104 = arith.constant dense<0x7F800000> : vector<32xf32>
    %reduce_min3A_105 = vector.multi_reduction <minimumf>, %select_n3A_103, %reduce_min3A_104 [1] : vector<32x5000xf32> to vector<32xf32>
    %broadcast_in_dim3A_106 = vector.shape_cast %reduce_min3A_105 : vector<32xf32> to vector<32x1xf32>
    %eq3A_107 = vector.broadcast %broadcast_in_dim3A_106 : vector<32x1xf32> to vector<32x5000xf32>
    %eq3A_108 = arith.cmpf oeq, %convert_element_type3A_60, %eq3A_107 : vector<32x5000xf32>
    %jit3A_109 = arith.constant -3.000000e+38 : f32
    %broadcast_in_dim3A_110 = vector.broadcast %jit3A_109 : f32 to vector<32x5000xf32>
    %select_n3A_111 = arith.select %eq3A_108, %broadcast_in_dim3A_110, %select_n3A_80 : vector<32x5000xi1>, vector<32x5000xf32>
    %eq3A_112 = arith.constant 9 : i32
    %eq3A_113 = vector.broadcast %eq3A_112 : i32 to vector<32x16xi32>
    %eq3A_114 = arith.cmpi eq, %iota3A_61, %eq3A_113 : vector<32x16xi32>
    %broadcast_in_dim3A_115 = vector.shape_cast %broadcast_in_dim3A_98 : vector<32x1xf32> to vector<32x1xf32>
    %broadcast_in_dim3A_116 = vector.broadcast %broadcast_in_dim3A_115 : vector<32x1xf32> to vector<32x16xf32>
    %select_n3A_117 = arith.select %eq3A_114, %broadcast_in_dim3A_116, %select_n3A_86 : vector<32x16xi1>, vector<32x16xf32>
    %eq3A_118 = arith.constant 9 : i32
    %eq3A_119 = vector.broadcast %eq3A_118 : i32 to vector<32x16xi32>
    %eq3A_120 = arith.cmpi eq, %iota3A_61, %eq3A_119 : vector<32x16xi32>
    %convert_element_type3A_121 = arith.fptosi %broadcast_in_dim3A_106 : vector<32x1xf32> to vector<32x1xi32>
    %add3A_122 = vector.broadcast %mul3A_69 : i32 to vector<32x1xi32>
    %add3A_123 = arith.addi %add3A_122, %convert_element_type3A_121 : vector<32x1xi32>
    %broadcast_in_dim3A_124 = vector.shape_cast %add3A_123 : vector<32x1xi32> to vector<32x1xi32>
    %broadcast_in_dim3A_125 = vector.broadcast %broadcast_in_dim3A_124 : vector<32x1xi32> to vector<32x16xi32>
    %select_n3A_126 = arith.select %eq3A_120, %broadcast_in_dim3A_125, %select_n3A_95 : vector<32x16xi1>, vector<32x16xi32>
    %reduce_max3A_127 = arith.constant dense<0xFF800000> : vector<32xf32>
    %reduce_max3A_128 = vector.multi_reduction <maximumf>, %select_n3A_111, %reduce_max3A_127 [1] : vector<32x5000xf32> to vector<32xf32>
    %broadcast_in_dim3A_129 = vector.shape_cast %reduce_max3A_128 : vector<32xf32> to vector<32x1xf32>
    %ge3A_130 = vector.broadcast %broadcast_in_dim3A_129 : vector<32x1xf32> to vector<32x5000xf32>
    %ge3A_131 = arith.cmpf oge, %select_n3A_111, %ge3A_130 : vector<32x5000xf32>
    %jit3A_132 = arith.constant 3.000000e+38 : f32
    %broadcast_in_dim3A_133 = vector.broadcast %jit3A_132 : f32 to vector<32x5000xf32>
    %select_n3A_134 = arith.select %ge3A_131, %convert_element_type3A_60, %broadcast_in_dim3A_133 : vector<32x5000xi1>, vector<32x5000xf32>
    %reduce_min3A_135 = arith.constant dense<0x7F800000> : vector<32xf32>
    %reduce_min3A_136 = vector.multi_reduction <minimumf>, %select_n3A_134, %reduce_min3A_135 [1] : vector<32x5000xf32> to vector<32xf32>
    %broadcast_in_dim3A_137 = vector.shape_cast %reduce_min3A_136 : vector<32xf32> to vector<32x1xf32>
    %eq3A_138 = vector.broadcast %broadcast_in_dim3A_137 : vector<32x1xf32> to vector<32x5000xf32>
    %eq3A_139 = arith.cmpf oeq, %convert_element_type3A_60, %eq3A_138 : vector<32x5000xf32>
    %jit3A_140 = arith.constant -3.000000e+38 : f32
    %broadcast_in_dim3A_141 = vector.broadcast %jit3A_140 : f32 to vector<32x5000xf32>
    %select_n3A_142 = arith.select %eq3A_139, %broadcast_in_dim3A_141, %select_n3A_111 : vector<32x5000xi1>, vector<32x5000xf32>
    %eq3A_143 = arith.constant 10 : i32
    %eq3A_144 = vector.broadcast %eq3A_143 : i32 to vector<32x16xi32>
    %eq3A_145 = arith.cmpi eq, %iota3A_61, %eq3A_144 : vector<32x16xi32>
    %broadcast_in_dim3A_146 = vector.shape_cast %broadcast_in_dim3A_129 : vector<32x1xf32> to vector<32x1xf32>
    %broadcast_in_dim3A_147 = vector.broadcast %broadcast_in_dim3A_146 : vector<32x1xf32> to vector<32x16xf32>
    %select_n3A_148 = arith.select %eq3A_145, %broadcast_in_dim3A_147, %select_n3A_117 : vector<32x16xi1>, vector<32x16xf32>
    %eq3A_149 = arith.constant 10 : i32
    %eq3A_150 = vector.broadcast %eq3A_149 : i32 to vector<32x16xi32>
    %eq3A_151 = arith.cmpi eq, %iota3A_61, %eq3A_150 : vector<32x16xi32>
    %convert_element_type3A_152 = arith.fptosi %broadcast_in_dim3A_137 : vector<32x1xf32> to vector<32x1xi32>
    %add3A_153 = vector.broadcast %mul3A_69 : i32 to vector<32x1xi32>
    %add3A_154 = arith.addi %add3A_153, %convert_element_type3A_152 : vector<32x1xi32>
    %broadcast_in_dim3A_155 = vector.shape_cast %add3A_154 : vector<32x1xi32> to vector<32x1xi32>
    %broadcast_in_dim3A_156 = vector.broadcast %broadcast_in_dim3A_155 : vector<32x1xi32> to vector<32x16xi32>
    %select_n3A_157 = arith.select %eq3A_151, %broadcast_in_dim3A_156, %select_n3A_126 : vector<32x16xi1>, vector<32x16xi32>
    %reduce_max3A_158 = arith.constant dense<0xFF800000> : vector<32xf32>
    %reduce_max3A_159 = vector.multi_reduction <maximumf>, %select_n3A_142, %reduce_max3A_158 [1] : vector<32x5000xf32> to vector<32xf32>
    %broadcast_in_dim3A_160 = vector.shape_cast %reduce_max3A_159 : vector<32xf32> to vector<32x1xf32>
    %ge3A_161 = vector.broadcast %broadcast_in_dim3A_160 : vector<32x1xf32> to vector<32x5000xf32>
    %ge3A_162 = arith.cmpf oge, %select_n3A_142, %ge3A_161 : vector<32x5000xf32>
    %jit3A_163 = arith.constant 3.000000e+38 : f32
    %broadcast_in_dim3A_164 = vector.broadcast %jit3A_163 : f32 to vector<32x5000xf32>
    %select_n3A_165 = arith.select %ge3A_162, %convert_element_type3A_60, %broadcast_in_dim3A_164 : vector<32x5000xi1>, vector<32x5000xf32>
    %reduce_min3A_166 = arith.constant dense<0x7F800000> : vector<32xf32>
    %reduce_min3A_167 = vector.multi_reduction <minimumf>, %select_n3A_165, %reduce_min3A_166 [1] : vector<32x5000xf32> to vector<32xf32>
    %broadcast_in_dim3A_168 = vector.shape_cast %reduce_min3A_167 : vector<32xf32> to vector<32x1xf32>
    %eq3A_169 = vector.broadcast %broadcast_in_dim3A_168 : vector<32x1xf32> to vector<32x5000xf32>
    %eq3A_170 = arith.cmpf oeq, %convert_element_type3A_60, %eq3A_169 : vector<32x5000xf32>
    %jit3A_171 = arith.constant -3.000000e+38 : f32
    %broadcast_in_dim3A_172 = vector.broadcast %jit3A_171 : f32 to vector<32x5000xf32>
    %select_n3A_173 = arith.select %eq3A_170, %broadcast_in_dim3A_172, %select_n3A_142 : vector<32x5000xi1>, vector<32x5000xf32>
    %eq3A_174 = arith.constant 11 : i32
    %eq3A_175 = vector.broadcast %eq3A_174 : i32 to vector<32x16xi32>
    %eq3A_176 = arith.cmpi eq, %iota3A_61, %eq3A_175 : vector<32x16xi32>
    %broadcast_in_dim3A_177 = vector.shape_cast %broadcast_in_dim3A_160 : vector<32x1xf32> to vector<32x1xf32>
    %broadcast_in_dim3A_178 = vector.broadcast %broadcast_in_dim3A_177 : vector<32x1xf32> to vector<32x16xf32>
    %select_n3A_179 = arith.select %eq3A_176, %broadcast_in_dim3A_178, %select_n3A_148 : vector<32x16xi1>, vector<32x16xf32>
    %eq3A_180 = arith.constant 11 : i32
    %eq3A_181 = vector.broadcast %eq3A_180 : i32 to vector<32x16xi32>
    %eq3A_182 = arith.cmpi eq, %iota3A_61, %eq3A_181 : vector<32x16xi32>
    %convert_element_type3A_183 = arith.fptosi %broadcast_in_dim3A_168 : vector<32x1xf32> to vector<32x1xi32>
    %add3A_184 = vector.broadcast %mul3A_69 : i32 to vector<32x1xi32>
    %add3A_185 = arith.addi %add3A_184, %convert_element_type3A_183 : vector<32x1xi32>
    %broadcast_in_dim3A_186 = vector.shape_cast %add3A_185 : vector<32x1xi32> to vector<32x1xi32>
    %broadcast_in_dim3A_187 = vector.broadcast %broadcast_in_dim3A_186 : vector<32x1xi32> to vector<32x16xi32>
    %select_n3A_188 = arith.select %eq3A_182, %broadcast_in_dim3A_187, %select_n3A_157 : vector<32x16xi1>, vector<32x16xi32>
    %reduce_max3A_189 = arith.constant dense<0xFF800000> : vector<32xf32>
    %reduce_max3A_190 = vector.multi_reduction <maximumf>, %select_n3A_173, %reduce_max3A_189 [1] : vector<32x5000xf32> to vector<32xf32>
    %broadcast_in_dim3A_191 = vector.shape_cast %reduce_max3A_190 : vector<32xf32> to vector<32x1xf32>
    %ge3A_192 = vector.broadcast %broadcast_in_dim3A_191 : vector<32x1xf32> to vector<32x5000xf32>
    %ge3A_193 = arith.cmpf oge, %select_n3A_173, %ge3A_192 : vector<32x5000xf32>
    %jit3A_194 = arith.constant 3.000000e+38 : f32
    %broadcast_in_dim3A_195 = vector.broadcast %jit3A_194 : f32 to vector<32x5000xf32>
    %select_n3A_196 = arith.select %ge3A_193, %convert_element_type3A_60, %broadcast_in_dim3A_195 : vector<32x5000xi1>, vector<32x5000xf32>
    %reduce_min3A_197 = arith.constant dense<0x7F800000> : vector<32xf32>
    %reduce_min3A_198 = vector.multi_reduction <minimumf>, %select_n3A_196, %reduce_min3A_197 [1] : vector<32x5000xf32> to vector<32xf32>
    %broadcast_in_dim3A_199 = vector.shape_cast %reduce_min3A_198 : vector<32xf32> to vector<32x1xf32>
    %eq3A_200 = arith.constant 12 : i32
    %eq3A_201 = vector.broadcast %eq3A_200 : i32 to vector<32x16xi32>
    %eq3A_202 = arith.cmpi eq, %iota3A_61, %eq3A_201 : vector<32x16xi32>
    %broadcast_in_dim3A_203 = vector.shape_cast %broadcast_in_dim3A_191 : vector<32x1xf32> to vector<32x1xf32>
    %broadcast_in_dim3A_204 = vector.broadcast %broadcast_in_dim3A_203 : vector<32x1xf32> to vector<32x16xf32>
    %select_n3A_205 = arith.select %eq3A_202, %broadcast_in_dim3A_204, %select_n3A_179 : vector<32x16xi1>, vector<32x16xf32>
    %eq3A_206 = arith.constant 12 : i32
    %eq3A_207 = vector.broadcast %eq3A_206 : i32 to vector<32x16xi32>
    %eq3A_208 = arith.cmpi eq, %iota3A_61, %eq3A_207 : vector<32x16xi32>
    %convert_element_type3A_209 = arith.fptosi %broadcast_in_dim3A_199 : vector<32x1xf32> to vector<32x1xi32>
    %add3A_210 = vector.broadcast %mul3A_69 : i32 to vector<32x1xi32>
    %add3A_211 = arith.addi %add3A_210, %convert_element_type3A_209 : vector<32x1xi32>
    %broadcast_in_dim3A_212 = vector.shape_cast %add3A_211 : vector<32x1xi32> to vector<32x1xi32>
    %broadcast_in_dim3A_213 = vector.broadcast %broadcast_in_dim3A_212 : vector<32x1xi32> to vector<32x16xi32>
    %select_n3A_214 = arith.select %eq3A_208, %broadcast_in_dim3A_213, %select_n3A_188 : vector<32x16xi1>, vector<32x16xi32>
    %broadcast_in_dim3A_215 = arith.constant -3.000000e+38 : f32
    %broadcast_in_dim3A_216 = vector.broadcast %broadcast_in_dim3A_215 : f32 to vector<32x16xf32>
    %broadcast_in_dim3A_217 = arith.constant 0 : i32
    %broadcast_in_dim3A_218 = vector.broadcast %broadcast_in_dim3A_217 : i32 to vector<32x16xi32>
    %reduce_max3A_219 = arith.constant dense<0xFF800000> : vector<32xf32>
    %reduce_max3A_220 = vector.multi_reduction <maximumf>, %select_n3A_205, %reduce_max3A_219 [1] : vector<32x16xf32> to vector<32xf32>
    %broadcast_in_dim3A_221 = vector.shape_cast %reduce_max3A_220 : vector<32xf32> to vector<32x1xf32>
    %ge3A_222 = vector.broadcast %broadcast_in_dim3A_221 : vector<32x1xf32> to vector<32x16xf32>
    %ge3A_223 = arith.cmpf oge, %select_n3A_205, %ge3A_222 : vector<32x16xf32>
    %jit3A_224 = arith.constant 1073741824 : i32
    %broadcast_in_dim3A_225 = vector.broadcast %jit3A_224 : i32 to vector<32x16xi32>
    %select_n3A_226 = arith.select %ge3A_223, %select_n3A_214, %broadcast_in_dim3A_225 : vector<32x16xi1>, vector<32x16xi32>
    %reduce_min3A_227 = arith.constant dense<2147483647> : vector<32xi32>
    %reduce_min3A_228 = vector.multi_reduction <minsi>, %select_n3A_226, %reduce_min3A_227 [1] : vector<32x16xi32> to vector<32xi32>
    %broadcast_in_dim3A_229 = vector.shape_cast %reduce_min3A_228 : vector<32xi32> to vector<32x1xi32>
    %eq3A_230 = arith.constant 0 : i32
    %eq3A_231 = vector.broadcast %eq3A_230 : i32 to vector<32x16xi32>
    %eq3A_232 = arith.cmpi eq, %iota3A_61, %eq3A_231 : vector<32x16xi32>
    %broadcast_in_dim3A_233 = vector.shape_cast %broadcast_in_dim3A_221 : vector<32x1xf32> to vector<32x1xf32>
    %broadcast_in_dim3A_234 = vector.broadcast %broadcast_in_dim3A_233 : vector<32x1xf32> to vector<32x16xf32>
    %select_n3A_235 = arith.select %eq3A_232, %broadcast_in_dim3A_234, %broadcast_in_dim3A_216 : vector<32x16xi1>, vector<32x16xf32>
    %eq3A_236 = arith.constant 0 : i32
    %eq3A_237 = vector.broadcast %eq3A_236 : i32 to vector<32x16xi32>
    %eq3A_238 = arith.cmpi eq, %iota3A_61, %eq3A_237 : vector<32x16xi32>
    %broadcast_in_dim3A_239 = vector.shape_cast %broadcast_in_dim3A_229 : vector<32x1xi32> to vector<32x1xi32>
    %broadcast_in_dim3A_240 = vector.broadcast %broadcast_in_dim3A_239 : vector<32x1xi32> to vector<32x16xi32>
    %select_n3A_241 = arith.select %eq3A_238, %broadcast_in_dim3A_240, %broadcast_in_dim3A_218 : vector<32x16xi1>, vector<32x16xi32>
    %ge3A_242 = vector.broadcast %broadcast_in_dim3A_221 : vector<32x1xf32> to vector<32x16xf32>
    %ge3A_243 = arith.cmpf oge, %select_n3A_205, %ge3A_242 : vector<32x16xf32>
    %eq3A_244 = vector.broadcast %broadcast_in_dim3A_229 : vector<32x1xi32> to vector<32x16xi32>
    %eq3A_245 = arith.cmpi eq, %select_n3A_214, %eq3A_244 : vector<32x16xi32>
    %and3A = arith.andi %ge3A_243, %eq3A_245 : vector<32x16xi1>
    %jit3A_246 = arith.constant -3.000000e+38 : f32
    %broadcast_in_dim3A_247 = vector.broadcast %jit3A_246 : f32 to vector<32x16xf32>
    %select_n3A_248 = arith.select %and3A, %broadcast_in_dim3A_247, %select_n3A_205 : vector<32x16xi1>, vector<32x16xf32>
    %reduce_max3A_249 = arith.constant dense<0xFF800000> : vector<32xf32>
    %reduce_max3A_250 = vector.multi_reduction <maximumf>, %select_n3A_248, %reduce_max3A_249 [1] : vector<32x16xf32> to vector<32xf32>
    %broadcast_in_dim3A_251 = vector.shape_cast %reduce_max3A_250 : vector<32xf32> to vector<32x1xf32>
    %ge3A_252 = vector.broadcast %broadcast_in_dim3A_251 : vector<32x1xf32> to vector<32x16xf32>
    %ge3A_253 = arith.cmpf oge, %select_n3A_248, %ge3A_252 : vector<32x16xf32>
    %jit3A_254 = arith.constant 1073741824 : i32
    %broadcast_in_dim3A_255 = vector.broadcast %jit3A_254 : i32 to vector<32x16xi32>
    %select_n3A_256 = arith.select %ge3A_253, %select_n3A_214, %broadcast_in_dim3A_255 : vector<32x16xi1>, vector<32x16xi32>
    %reduce_min3A_257 = arith.constant dense<2147483647> : vector<32xi32>
    %reduce_min3A_258 = vector.multi_reduction <minsi>, %select_n3A_256, %reduce_min3A_257 [1] : vector<32x16xi32> to vector<32xi32>
    %broadcast_in_dim3A_259 = vector.shape_cast %reduce_min3A_258 : vector<32xi32> to vector<32x1xi32>
    %eq3A_260 = arith.constant 1 : i32
    %eq3A_261 = vector.broadcast %eq3A_260 : i32 to vector<32x16xi32>
    %eq3A_262 = arith.cmpi eq, %iota3A_61, %eq3A_261 : vector<32x16xi32>
    %broadcast_in_dim3A_263 = vector.shape_cast %broadcast_in_dim3A_251 : vector<32x1xf32> to vector<32x1xf32>
    %broadcast_in_dim3A_264 = vector.broadcast %broadcast_in_dim3A_263 : vector<32x1xf32> to vector<32x16xf32>
    %select_n3A_265 = arith.select %eq3A_262, %broadcast_in_dim3A_264, %select_n3A_235 : vector<32x16xi1>, vector<32x16xf32>
    %eq3A_266 = arith.constant 1 : i32
    %eq3A_267 = vector.broadcast %eq3A_266 : i32 to vector<32x16xi32>
    %eq3A_268 = arith.cmpi eq, %iota3A_61, %eq3A_267 : vector<32x16xi32>
    %broadcast_in_dim3A_269 = vector.shape_cast %broadcast_in_dim3A_259 : vector<32x1xi32> to vector<32x1xi32>
    %broadcast_in_dim3A_270 = vector.broadcast %broadcast_in_dim3A_269 : vector<32x1xi32> to vector<32x16xi32>
    %select_n3A_271 = arith.select %eq3A_268, %broadcast_in_dim3A_270, %select_n3A_241 : vector<32x16xi1>, vector<32x16xi32>
    %ge3A_272 = vector.broadcast %broadcast_in_dim3A_251 : vector<32x1xf32> to vector<32x16xf32>
    %ge3A_273 = arith.cmpf oge, %select_n3A_248, %ge3A_272 : vector<32x16xf32>
    %eq3A_274 = vector.broadcast %broadcast_in_dim3A_259 : vector<32x1xi32> to vector<32x16xi32>
    %eq3A_275 = arith.cmpi eq, %select_n3A_214, %eq3A_274 : vector<32x16xi32>
    %and3A_276 = arith.andi %ge3A_273, %eq3A_275 : vector<32x16xi1>
    %jit3A_277 = arith.constant -3.000000e+38 : f32
    %broadcast_in_dim3A_278 = vector.broadcast %jit3A_277 : f32 to vector<32x16xf32>
    %select_n3A_279 = arith.select %and3A_276, %broadcast_in_dim3A_278, %select_n3A_248 : vector<32x16xi1>, vector<32x16xf32>
    %reduce_max3A_280 = arith.constant dense<0xFF800000> : vector<32xf32>
    %reduce_max3A_281 = vector.multi_reduction <maximumf>, %select_n3A_279, %reduce_max3A_280 [1] : vector<32x16xf32> to vector<32xf32>
    %broadcast_in_dim3A_282 = vector.shape_cast %reduce_max3A_281 : vector<32xf32> to vector<32x1xf32>
    %ge3A_283 = vector.broadcast %broadcast_in_dim3A_282 : vector<32x1xf32> to vector<32x16xf32>
    %ge3A_284 = arith.cmpf oge, %select_n3A_279, %ge3A_283 : vector<32x16xf32>
    %jit3A_285 = arith.constant 1073741824 : i32
    %broadcast_in_dim3A_286 = vector.broadcast %jit3A_285 : i32 to vector<32x16xi32>
    %select_n3A_287 = arith.select %ge3A_284, %select_n3A_214, %broadcast_in_dim3A_286 : vector<32x16xi1>, vector<32x16xi32>
    %reduce_min3A_288 = arith.constant dense<2147483647> : vector<32xi32>
    %reduce_min3A_289 = vector.multi_reduction <minsi>, %select_n3A_287, %reduce_min3A_288 [1] : vector<32x16xi32> to vector<32xi32>
    %broadcast_in_dim3A_290 = vector.shape_cast %reduce_min3A_289 : vector<32xi32> to vector<32x1xi32>
    %eq3A_291 = arith.constant 2 : i32
    %eq3A_292 = vector.broadcast %eq3A_291 : i32 to vector<32x16xi32>
    %eq3A_293 = arith.cmpi eq, %iota3A_61, %eq3A_292 : vector<32x16xi32>
    %broadcast_in_dim3A_294 = vector.shape_cast %broadcast_in_dim3A_282 : vector<32x1xf32> to vector<32x1xf32>
    %broadcast_in_dim3A_295 = vector.broadcast %broadcast_in_dim3A_294 : vector<32x1xf32> to vector<32x16xf32>
    %select_n3A_296 = arith.select %eq3A_293, %broadcast_in_dim3A_295, %select_n3A_265 : vector<32x16xi1>, vector<32x16xf32>
    %eq3A_297 = arith.constant 2 : i32
    %eq3A_298 = vector.broadcast %eq3A_297 : i32 to vector<32x16xi32>
    %eq3A_299 = arith.cmpi eq, %iota3A_61, %eq3A_298 : vector<32x16xi32>
    %broadcast_in_dim3A_300 = vector.shape_cast %broadcast_in_dim3A_290 : vector<32x1xi32> to vector<32x1xi32>
    %broadcast_in_dim3A_301 = vector.broadcast %broadcast_in_dim3A_300 : vector<32x1xi32> to vector<32x16xi32>
    %select_n3A_302 = arith.select %eq3A_299, %broadcast_in_dim3A_301, %select_n3A_271 : vector<32x16xi1>, vector<32x16xi32>
    %ge3A_303 = vector.broadcast %broadcast_in_dim3A_282 : vector<32x1xf32> to vector<32x16xf32>
    %ge3A_304 = arith.cmpf oge, %select_n3A_279, %ge3A_303 : vector<32x16xf32>
    %eq3A_305 = vector.broadcast %broadcast_in_dim3A_290 : vector<32x1xi32> to vector<32x16xi32>
    %eq3A_306 = arith.cmpi eq, %select_n3A_214, %eq3A_305 : vector<32x16xi32>
    %and3A_307 = arith.andi %ge3A_304, %eq3A_306 : vector<32x16xi1>
    %jit3A_308 = arith.constant -3.000000e+38 : f32
    %broadcast_in_dim3A_309 = vector.broadcast %jit3A_308 : f32 to vector<32x16xf32>
    %select_n3A_310 = arith.select %and3A_307, %broadcast_in_dim3A_309, %select_n3A_279 : vector<32x16xi1>, vector<32x16xf32>
    %reduce_max3A_311 = arith.constant dense<0xFF800000> : vector<32xf32>
    %reduce_max3A_312 = vector.multi_reduction <maximumf>, %select_n3A_310, %reduce_max3A_311 [1] : vector<32x16xf32> to vector<32xf32>
    %broadcast_in_dim3A_313 = vector.shape_cast %reduce_max3A_312 : vector<32xf32> to vector<32x1xf32>
    %ge3A_314 = vector.broadcast %broadcast_in_dim3A_313 : vector<32x1xf32> to vector<32x16xf32>
    %ge3A_315 = arith.cmpf oge, %select_n3A_310, %ge3A_314 : vector<32x16xf32>
    %jit3A_316 = arith.constant 1073741824 : i32
    %broadcast_in_dim3A_317 = vector.broadcast %jit3A_316 : i32 to vector<32x16xi32>
    %select_n3A_318 = arith.select %ge3A_315, %select_n3A_214, %broadcast_in_dim3A_317 : vector<32x16xi1>, vector<32x16xi32>
    %reduce_min3A_319 = arith.constant dense<2147483647> : vector<32xi32>
    %reduce_min3A_320 = vector.multi_reduction <minsi>, %select_n3A_318, %reduce_min3A_319 [1] : vector<32x16xi32> to vector<32xi32>
    %broadcast_in_dim3A_321 = vector.shape_cast %reduce_min3A_320 : vector<32xi32> to vector<32x1xi32>
    %eq3A_322 = arith.constant 3 : i32
    %eq3A_323 = vector.broadcast %eq3A_322 : i32 to vector<32x16xi32>
    %eq3A_324 = arith.cmpi eq, %iota3A_61, %eq3A_323 : vector<32x16xi32>
    %broadcast_in_dim3A_325 = vector.shape_cast %broadcast_in_dim3A_313 : vector<32x1xf32> to vector<32x1xf32>
    %broadcast_in_dim3A_326 = vector.broadcast %broadcast_in_dim3A_325 : vector<32x1xf32> to vector<32x16xf32>
    %select_n3A_327 = arith.select %eq3A_324, %broadcast_in_dim3A_326, %select_n3A_296 : vector<32x16xi1>, vector<32x16xf32>
    %eq3A_328 = arith.constant 3 : i32
    %eq3A_329 = vector.broadcast %eq3A_328 : i32 to vector<32x16xi32>
    %eq3A_330 = arith.cmpi eq, %iota3A_61, %eq3A_329 : vector<32x16xi32>
    %broadcast_in_dim3A_331 = vector.shape_cast %broadcast_in_dim3A_321 : vector<32x1xi32> to vector<32x1xi32>
    %broadcast_in_dim3A_332 = vector.broadcast %broadcast_in_dim3A_331 : vector<32x1xi32> to vector<32x16xi32>
    %select_n3A_333 = arith.select %eq3A_330, %broadcast_in_dim3A_332, %select_n3A_302 : vector<32x16xi1>, vector<32x16xi32>
    %ge3A_334 = vector.broadcast %broadcast_in_dim3A_313 : vector<32x1xf32> to vector<32x16xf32>
    %ge3A_335 = arith.cmpf oge, %select_n3A_310, %ge3A_334 : vector<32x16xf32>
    %eq3A_336 = vector.broadcast %broadcast_in_dim3A_321 : vector<32x1xi32> to vector<32x16xi32>
    %eq3A_337 = arith.cmpi eq, %select_n3A_214, %eq3A_336 : vector<32x16xi32>
    %and3A_338 = arith.andi %ge3A_335, %eq3A_337 : vector<32x16xi1>
    %jit3A_339 = arith.constant -3.000000e+38 : f32
    %broadcast_in_dim3A_340 = vector.broadcast %jit3A_339 : f32 to vector<32x16xf32>
    %select_n3A_341 = arith.select %and3A_338, %broadcast_in_dim3A_340, %select_n3A_310 : vector<32x16xi1>, vector<32x16xf32>
    %reduce_max3A_342 = arith.constant dense<0xFF800000> : vector<32xf32>
    %reduce_max3A_343 = vector.multi_reduction <maximumf>, %select_n3A_341, %reduce_max3A_342 [1] : vector<32x16xf32> to vector<32xf32>
    %broadcast_in_dim3A_344 = vector.shape_cast %reduce_max3A_343 : vector<32xf32> to vector<32x1xf32>
    %ge3A_345 = vector.broadcast %broadcast_in_dim3A_344 : vector<32x1xf32> to vector<32x16xf32>
    %ge3A_346 = arith.cmpf oge, %select_n3A_341, %ge3A_345 : vector<32x16xf32>
    %jit3A_347 = arith.constant 1073741824 : i32
    %broadcast_in_dim3A_348 = vector.broadcast %jit3A_347 : i32 to vector<32x16xi32>
    %select_n3A_349 = arith.select %ge3A_346, %select_n3A_214, %broadcast_in_dim3A_348 : vector<32x16xi1>, vector<32x16xi32>
    %reduce_min3A_350 = arith.constant dense<2147483647> : vector<32xi32>
    %reduce_min3A_351 = vector.multi_reduction <minsi>, %select_n3A_349, %reduce_min3A_350 [1] : vector<32x16xi32> to vector<32xi32>
    %broadcast_in_dim3A_352 = vector.shape_cast %reduce_min3A_351 : vector<32xi32> to vector<32x1xi32>
    %eq3A_353 = arith.constant 4 : i32
    %eq3A_354 = vector.broadcast %eq3A_353 : i32 to vector<32x16xi32>
    %eq3A_355 = arith.cmpi eq, %iota3A_61, %eq3A_354 : vector<32x16xi32>
    %broadcast_in_dim3A_356 = vector.shape_cast %broadcast_in_dim3A_344 : vector<32x1xf32> to vector<32x1xf32>
    %broadcast_in_dim3A_357 = vector.broadcast %broadcast_in_dim3A_356 : vector<32x1xf32> to vector<32x16xf32>
    %select_n3A_358 = arith.select %eq3A_355, %broadcast_in_dim3A_357, %select_n3A_327 : vector<32x16xi1>, vector<32x16xf32>
    %eq3A_359 = arith.constant 4 : i32
    %eq3A_360 = vector.broadcast %eq3A_359 : i32 to vector<32x16xi32>
    %eq3A_361 = arith.cmpi eq, %iota3A_61, %eq3A_360 : vector<32x16xi32>
    %broadcast_in_dim3A_362 = vector.shape_cast %broadcast_in_dim3A_352 : vector<32x1xi32> to vector<32x1xi32>
    %broadcast_in_dim3A_363 = vector.broadcast %broadcast_in_dim3A_362 : vector<32x1xi32> to vector<32x16xi32>
    %select_n3A_364 = arith.select %eq3A_361, %broadcast_in_dim3A_363, %select_n3A_333 : vector<32x16xi1>, vector<32x16xi32>
    %swap3A = arith.constant 0 : index
    %swap3A_365 = arith.constant 0 : index
    %swap3A_366 = vector.load %arg4[%swap3A, %swap3A_365] : memref<32x16xf32, #tpu.memory_space<vmem>>, vector<32x16xf32>
    tpu.vector_store %arg4[%swap3A, %swap3A_365], %select_n3A_358 {strides = array<i32>} : memref<32x16xf32, #tpu.memory_space<vmem>>, vector<32x16xf32>,
    %swap3A_367 = arith.constant 0 : index
    %swap3A_368 = arith.constant 0 : index
    %swap3A_369 = vector.load %arg5[%swap3A_367, %swap3A_368] : memref<32x16xi32, #tpu.memory_space<vmem>>, vector<32x16xi32>
    tpu.vector_store %arg5[%swap3A_367, %swap3A_368], %select_n3A_364 {strides = array<i32>} : memref<32x16xi32, #tpu.memory_space<vmem>>, vector<32x16xi32>,
    %swap3A_370 = arith.constant 0 : index
    %swap3A_371 = arith.constant 0 : index
    %swap3A_372 = vector.load %arg3[%swap3A_370, %swap3A_371] : memref<32x16xi32, #tpu.memory_space<vmem>>, vector<32x16xi32>
    tpu.vector_store %arg3[%swap3A_370, %swap3A_371], %select_n3A_364 {strides = array<i32>} : memref<32x16xi32, #tpu.memory_space<vmem>>, vector<32x16xi32>,
    return
  }
  func.func @transform_0(%arg0: i32) -> (i32, i32) {
    %c0_i32 = arith.constant 0 : i32
    %c0_i32_0 = arith.constant 0 : i32
    %c0_i32_1 = arith.constant 0 : i32
    return %c0_i32, %c0_i32_0 : i32, i32
  }
  func.func @transform_1(%arg0: i32) -> (i32, i32) {
    %c0_i32 = arith.constant 0 : i32
    %c0_i32_0 = arith.constant 0 : i32
    return %arg0, %c0_i32 : i32, i32
  }
  func.func @transform_2(%arg0: i32) -> (i32, i32) {
    %c0_i32 = arith.constant 0 : i32
    %c0_i32_0 = arith.constant 0 : i32
    %c0_i32_1 = arith.constant 0 : i32
    return %c0_i32, %c0_i32_0 : i32, i32
  }
}

</mosaic_0001>

<sc_bundles>
// kernel: kernel.5.cloned.1.call-start
scs
__scs_entry_jumppad:
0x0: {  	(pc) =	sbr.rel $0x88, $3  }
0x1: {  	(tag) =	ssettag $0x0;
	lr =	simm.s32 $0x1  }
0x2: {  	[smem:$0x3F9B] =	sst lr;
	_ =	strace $0xD0000000  }
0x3: {  	_ = 	snop  }
0x4: {  	_ = 	snop  }
0x5: {  	_ = 	snop  }
0x6: {  	_ = 	snop  }
0x7: {  	_ = 	snop  }
__scs_overlays_trampoline_lowered:
0x8: {  	[smem:$0x3FAA] =	sst s0  }
0x9: {  	[smem:$0x3FAB] =	sst s1  }
0xa: {  	[smem:$0x3FAC] =	sst s2  }
0xb: {  	[smem:$0x3FAD] =	sst s3  }
0xc: {  	[smem:$0x3FAE] =	sst s4  }
0xd: {  	[smem:$0x3FAF] =	sst s5  }
0xe: {  	[smem:$0x3FB0] =	sst s6  }
0xf: {  	[smem:$0x3FB1] =	sst s7  }
0x10: {  	[smem:$0x3FB2] =	sst s8  }
0x11: {  	[smem:$0x3FB3] =	sst s9;
	s0 =	simm.s32 @!p0 $0x0  }
0x12: {  	s1 =	sld [smem:$0x3F99];
	s0 =	simm.s32 @p0 $0x1  }
0x13: {  	[smem:$0x3FB4] =	sst s0;
	s0 =	simm.s32 @!p1 $0x0  }
0x14: {  	s2 =	sld [smem:$0x3F98];
	s0 =	simm.s32 @p1 $0x1  }
0x15: {  	[smem:$0x3FB5] =	sst s0;
	s0 =	simm.s32 @!p2 $0x0  }
0x16: {  	s3 =	sld [smem:$0x3FDB];
	s0 =	simm.s32 @p2 $0x1  }
0x17: {  	s4 =	simm.s32 $0x1BF5;
	[smem:$0x3FB7] =	sst s0  }
0x18: {  	s0 =	sld [smem:$0x3F9A];
	_ =	swait.ge [sflag:s4], $0x0  }
0x19: {  	s7 =	sld [smem:$0x3F9B]  }
0x1a: {  	s8 =	sadd.s32 $0xFFFFE003, lr  }
0x1b: {  	s9 =	sadd.s32 $0xFFFFFEF7, lr;
	s5 =	simm.s32 $0xFFFFFFFF;
	p2 =	slt.u32 s8, $0xFFFFF086  }
0x1c: {  	p1 =	slt.u32 s9, $0xF7A;
	s5 =	simm.s32 @!p2 $0x0  }
0x1d: {  	s5 =	simm.s32 @p1 $0x1;
	p0 =	seq.s32 s7, s2  }
0x1e: {  	s7 =	smul.u32 @!p0 $0xF7A, s2;
	p2 =	seq.s32 @!p0 s5, $0x0  }
0x1f: {  	s9 =	smul.u32 $0xF7A, s1;
	s8 =	simm.s32 @!p0 $0x1BF5;
	p2 =	por !p2, p0  }
0x20: {  	[sflag:s8] =	ssyncset.s32 @!p0 $0xFFFFF086;
	s6 =	sadd.s32 @!p0 s3, s7;
	s7 =	simm.s32 @!p0 $0x108  }
0x21: {  	s3 =	sadd.s32 s3, s9;
	s6 =	sadd.s32 @!p0 $0x88, s6;
	s7 =	simm.s32 @p2 $0x1082  }
0x22: {  	[simem:s7], [sflag:s8] =	dma.local @!p0 [hbm:s6], $0xF7A  }
0x23: {  	s9 =	sor.u32 $0xD0000000, s2;
	s6 =	simm.s32 $0x108;
	_ =	swait.ge @!p0 [sflag:s8], $0x0  }
0x24: {  	s3 =	sadd.s32 $0x88, s3;
	s6 =	simm.s32 @!p1 $0x1082;
	[sflag:s4] =	ssyncset.s32 $0xFFFFF086  }
0x25: {  	[simem:s6], [sflag:s4] =	dma.local [hbm:s3], $0xF7A  }
0x26: {  	[smem:$0x3F9B] =	sst s1;
	(tag) =	ssettag s2;
	_ =	strace s9  }
0x27: {  	s1 =	sld [smem:$0x3FAB]  }
0x28: {  	s2 =	sld [smem:$0x3FAC]  }
0x29: {  	s4 =	sld [smem:$0x3FAE]  }
0x2a: {  	p0 =	seq.s32 s5, $0x0;
	s5 =	sld [smem:$0x3FAF]  }
0x2b: {  	s6 =	sld [smem:$0x3FB0]  }
0x2c: {  	s7 =	sld [smem:$0x3FB1]  }
0x2d: {  	s3 =	simm.s32 $0x108;
	s8 =	sld [smem:$0x3FB2]  }
0x2e: {  	s3 =	simm.s32 @!p0 $0x1082;
	s9 =	sld [smem:$0x3FB3]  }
0x2f: {  	lr =	sadd.s32 s0, s3;
	s0 =	sld [smem:$0x3FAA]  }
0x30: {  	s3 =	sld [smem:$0x3FAD]  }
0x31: {  	[smem:$0x3FB6] =	sst s10  }
0x32: {  	s10 =	sld [smem:$0x3FB4];
	_ =	sdelay $0x3  }
0x33: {  	p0 =	seq.s32 s10, $0x1;
	s10 =	sld [smem:$0x3FB6];
	_ =	sdelay $0x3  }
0x34: {  	[smem:$0x3FB6] =	sst s10  }
0x35: {  	s10 =	sld [smem:$0x3FB5];
	_ =	sdelay $0x3  }
0x36: {  	p1 =	seq.s32 s10, $0x1;
	s10 =	sld [smem:$0x3FB6];
	_ =	sdelay $0x3  }
0x37: {  	[smem:$0x3FB6] =	sst s10  }
0x38: {  	s10 =	sld [smem:$0x3FB7]  }
0x39: {  	_ = 	snop;
	(pc) =	sbr.ind lr, $3  }
0x3a: {  	_ = 	snop  }
0x3b: {  	_ = 	snop  }
0x3c: {  	p2 =	seq.s32 s10, $0x1;
	s10 =	sld [smem:$0x3FB6]  }
0x3d: {  	_ =	shalt  }
0x3e: {  	_ =	shalt  }
0x3f: {  	_ =	shalt  }
0x40: {  	_ =	shalt  }
0x41: {  	_ =	shalt  }
0x42: {  	_ =	shalt  }
0x43: {  	_ =	shalt  }
0x44: {  	_ =	shalt  }
0x45: {  	_ =	shalt  }
0x46: {  	_ =	shalt  }
0x47: {  	_ =	shalt  }
0x48: {  	_ =	shalt  }
0x49: {  	_ =	shalt  }
0x4a: {  	_ =	shalt  }
0x4b: {  	_ =	shalt  }
0x4c: {  	_ =	shalt  }
0x4d: {  	_ =	shalt  }
0x4e: {  	_ =	shalt  }
0x4f: {  	_ =	shalt  }
0x50: {  	_ =	shalt  }
0x51: {  	_ =	shalt  }
0x52: {  	_ =	shalt  }
0x53: {  	_ =	shalt  }
0x54: {  	_ =	shalt  }
0x55: {  	_ =	shalt  }
0x56: {  	_ =	shalt  }
0x57: {  	_ =	shalt  }
0x58: {  	_ =	shalt  }
0x59: {  	_ =	shalt  }
0x5a: {  	_ =	shalt  }
0x5b: {  	_ =	shalt  }
0x5c: {  	_ =	shalt  }
0x5d: {  	_ =	shalt  }
0x5e: {  	_ =	shalt  }
0x5f: {  	_ =	shalt  }
0x60: {  	_ =	shalt  }
0x61: {  	_ =	shalt  }
0x62: {  	_ =	shalt  }
0x63: {  	_ =	shalt  }
0x64: {  	_ =	shalt  }
0x65: {  	_ =	shalt  }
0x66: {  	_ =	shalt  }
0x67: {  	_ =	shalt  }
0x68: {  	_ =	shalt  }
0x69: {  	_ =	shalt  }
0x6a: {  	_ =	shalt  }
0x6b: {  	_ =	shalt  }
0x6c: {  	_ =	shalt  }
0x6d: {  	_ =	shalt  }
0x6e: {  	_ =	shalt  }
0x6f: {  	_ =	shalt  }
0x70: {  	_ =	shalt  }
0x71: {  	_ =	shalt  }
0x72: {  	_ =	shalt  }
0x73: {  	_ =	shalt  }
0x74: {  	_ =	shalt  }
0x75: {  	_ =	shalt  }
0x76: {  	_ =	shalt  }
0x77: {  	_ =	shalt  }
0x78: {  	_ =	shalt  }
0x79: {  	_ =	shalt  }
0x7a: {  	_ =	shalt  }
0x7b: {  	_ =	shalt  }
0x7c: {  	_ =	shalt  }
0x7d: {  	_ =	shalt  }
0x7e: {  	_ =	shalt  }
0x7f: {  	_ =	shalt  }
0x80: {  	_ =	shalt  }
0x81: {  	_ =	shalt  }
0x82: {  	_ =	shalt  }
0x83: {  	_ =	shalt  }
0x84: {  	_ =	shalt  }
0x85: {  	_ =	shalt  }
0x86: {  	_ =	shalt  }
0x87: {  	_ =	shalt  }
.Lfunc_end0:
.L_simem_size_0:
called_computation_lowered:
.L_overlay_start_0:
0x88: {  	s2 =	sld [smem:$0x3FD9]  }
0x89: {  	s3 =	sld [smem:$0x3FFE];
	_ =	sdelay $0x1  }
0x8a: {  	s1 =	srdreg.scid  }
0x8b: {  	s0 =	sand.u32 $0x1, s1  }
0x8c: {  	s14 =	sshll.u32 s0, $0xA;
	s2 =	sadd.s32 s3, s2  }
0x8d: {  	s2 =	sadd.s32 s2, s14  }
0x8e: {  	[smem:$0x3FC2] =	sst s2  }
0x8f: {  	_ = 	snop  }
0x90: {  	s2 =	sld [smem:$0x3FD0];
	_ =	sdelay $0x2  }
0x91: {  	s4 =	simm.s32 $0xA;
	s5 =	simm.s32 $0x10;
	s15 =	sld [smem:$0x3FC7]  }
0x92: {  	[smem:s5], [sflag:s4] =	dma.local [hbm:s2], $0x1  }
0x93: {  	_ =	swait.eq [sflag:s4], $0x1  }
0x94: {  	[sflag:s4] =	ssyncset.done $0x0  }
0x95: {  	[sflag:s4] =	ssyncadd.s32 $0xFFFFFFFF  }
0x96: {  	s16 =	sld [smem:$0x10];
	(tm) =	ssettm $0x1  }
0x97: {  	s17 =	sld [smem:$0x3FFB];
	_ =	sdelay $0x3  }
0x98: {  	_ =	strace s17  }
0x99: {  	s4 =	sld [smem:$0x3FFC];
	_ =	sdelay $0x3  }
0x9a: {  	_ =	strace s4  }
0x9b: {  	s4 =	sld [smem:$0x3FFD];
	_ =	sdelay $0x3  }
0x9c: {  	_ =	strace s4  }
0x9d: {  	_ =	strace $0x8FFFFFFF  }
0x9e: {  	s18 =	sld [smem:$0x3FDB];
	_ =	sdelay $0x1  }
0x9f: {  	s19 =	simm.s32 $_scs_section_size  }
0xa0: {  	s6 =	simm.s32 $_size__tile_overlayer_lowered;
	s7 =	simm.s32 $_tile_overlayer_lowered  }
0xa1: {  	s22 =	simm.s32 $0x1BFF;
	s21 =	sshll.u32 s7, $0x1;
	s4 =	sadd.s32 s19, s18  }
0xa2: {  	s8 =	simm.s32 $0x0;
	s20 =	sshll.u32 s6, $0x1;
	s6 =	sadd.s32 s21, s4  }
0xa3: {  	[timem:s8], [sflag:s22] =	dma.local [hbm:s6], s20  }
0xa4: {  	_ =	swait.ge [sflag:s22], s20  }
0xa5: {  	s5 =	ssub.s32 $0x0, s20;
	[sflag:s22] =	ssyncset.done $0x0  }
0xa6: {  	[sflag:s22] =	ssyncadd.s32 s5;
	_ =	sdelay $0x1  }
0xa7: {  	s23 =	simm.s32 $0x1B8B  }
0xa8: {  	_ =	swait.ge [sflag:s23], $0x1  }
0xa9: {  	[sflag:s23] =	ssyncset.done $0x0  }
0xaa: {  	s25 =	simm.s32 $0x1B8E;
	s24 =	sld [smem:$0x3FFE];
	[sflag:s23] =	ssyncadd.s32 $0xFFFFFFFF  }
0xab: {  	s26 =	simm.s32 $execute0_lowered;
	[smem:$0x3FD2] =	sst s25  }
0xac: {  	s6 =	sshll.u32 s26, $0x1;
	_ =	strace $0x80000046;
	[dreg:$0x1] =	wrdreg $0xFFFFFFFF  }
0xad: {  	s28 =	simm.s32 $_size_execute0_lowered;
	s4 =	sadd.s32 s4, s6;
	[dreg:$0x0] =	wrdreg $0x0  }
0xae: {  	s6 =	sshll.u32 s28, $0x1;
	[dreg:$0x2] =	wrdreg s4  }
0xaf: {  	[dreg:$0x3] =	wrdreg s6  }
0xb0: {  	[dreg:$0x4] =	wrdreg $0xC0  }
0xb1: {  	_ =	task [dreg:s8], $0x5FFFF  }
0xb2: {  	[dreg:$0x1] =	wrdreg $0xFFFFFFFF  }
0xb3: {  	[dreg:$0x0] =	wrdreg $0x60  }
0xb4: {  	[dreg:$0x2] =	wrdreg s15  }
0xb5: {  	[dreg:$0x3] =	wrdreg s16  }
0xb6: {  	[dreg:$0x4] =	wrdreg s24  }
0xb7: {  	[dreg:$0x5] =	wrdreg $0x9  }
0xb8: {  	_ =	task.clear_ibuf [dreg:s8], $0x6FFFF;
	_ =	strace $0x90000046  }
0xb9: {  	s29 =	simm.s32 $0x9;
	_ =	strace $0x80000048  }
0xba: {  	_ =	swait.ge [sflag:s29], $0x1  }
0xbb: {  	[sflag:s29] =	ssyncadd.s32 $0xFFFFFFFF  }
0xbc: {  	_ =	strace $0x90000048  }
0xbd: {  	_ =	sfence  }
0xbe: {  	s30 =	sld [smem:$0x0];
	_ =	sdelay $0x2  }
0xbf: {  	s31 =	sshll.u32 s1, $0xD;
	s1 =	sshrl.u32 s1, $0x2  }
0xc0: {  	s3 =	sand.u32 $0x4000, s31;
	s1 =	sadd.s32 s1, s30  }
0xc1: {  	s0 =	sor.u32 s3, s0;
	s1 =	sshll.u32 s1, $0x11  }
0xc2: {  	s0 =	sor.u32 s1, s0  }
0xc3: {  	s0 =	sadd.s32 $0x8F2B, s0  }
0xc4: {  	[sflag:s0] =	ssyncadd.remote.s32 $0x1  }
0xc5: {  	_ =	sfence.sel $0xFFFF  }
0xc6: {  	[dreg:$0x0] =	wrdreg $0xFFFFFFFF;
	(pc) =	sbr.abs _section_cstart, $3  }
0xc7: {  	[dreg:$0x1] =	wrdreg $0xFFFFFFFF  }
0xc8: {  	_ =	task.clear_ibuf [dreg:s8], $0x2FFFF;
	_ =	strace $0x9FFFFFFF  }
0xc9: {  	(tm) =	ssettm $0x7FFFFFFF  }
tec
execute0_lowered:
.L_overlay_start_1:
0x0: {  	(tag) =	ssettag $0x1  }
0x1: {  	s1 =	rddreg [dreg:$0x0]  }
0x2: {  	s0 =	rddreg [dreg:$0x1]  }
0x3: {  	s2 =	rddreg [dreg:$0x2]  }
0x4: {  	s4 =	srdreg.scid;
	s3 =	simm.s32 $0x0;
	s5 =	stileid.u32  }
0x5: {  	s14 =	simm.s32 $0x1;
	s4 =	sand.u32 $0x1, s4;
	[smem:$0x7FF] =	sst s3  }
0x6: {  	s5 =	sshll.u32 s5, $0xA;
	s2 =	sadd.s32 $0xC00, s2;
	s6 =	sshll.u32 s4, $0x9  }
0x7: {  	_ =	strace $0x80000047;
	s4 =	ssub.s32 $0x2, s4;
	s5 =	sor.u32 s6, s5  }
0x8: {  	s19 =	sshrl.u32 s4, $0x1;
	s7 =	sshrl.u32 s5, $0x3;
	s8 =	sshll.u32 s5, $0x6  }
0x9: {  	s9 =	sor.u32 $0x80, s5;
	s25 =	sor.u32 $0x100, s5;
	s6 =	ssub.s32 s4, s19  }
0xa: {  	s5 =	sor.u32 $0x180, s5;
	s7 =	sadd.s32 s0, s7;
	s20 =	sadd.s32 s2, s8  }
0xb: {  	s21 =	sshrl.u32 s9, $0x3;
	s23 =	sshll.u32 s9, $0x6;
	[dreg:$0x4] =	wrdreg s7  }
0xc: {  	s26 =	sshrl.u32 s25, $0x3;
	[dreg:$0x5] =	wrdreg s20;
	s22 =	sadd.s32 s0, s21  }
0xd: {  	s28 =	sshll.u32 s25, $0x6;
	s24 =	sadd.s32 s2, s23;
	[dreg:$0x6] =	wrdreg s22  }
0xe: {  	s30 =	sshrl.u32 s5, $0x3;
	s4 =	sadd.s32 s0, s26;
	[dreg:$0x7] =	wrdreg s24  }
0xf: {  	s5 =	sshll.u32 s5, $0x6;
	s29 =	sadd.s32 s2, s28;
	[dreg:$0x8] =	wrdreg s4  }
0x10: {  	v2 =	vlaneseq.u32;
	s25 =	simm.s32 $0x80;
	s0 =	sadd.s32 s0, s30;
	[dreg:$0x9] =	wrdreg s29  }
0x11: {  	vm0 =	vmmov $0xffff;
	v1 =	vshrl.u32 v2, $0x3;
	s31 =	sadd.s32 s2, s5;
	s5 =	smax.u32 s6, $0x1;
	[dreg:$0xa] =	wrdreg s0  }
0x12: {  	v0 =	vand.u32 $0x7, v2;
	v2 =	vor.u32 $0x8, v2;
	v1 =	vmul.u32 $0x8, v1;
	s6 =	simm.s32 $0x2;
	s4 =	sadd.s32 $0x100, s1;
	[dreg:$0xb] =	wrdreg s31  }
.LBB2_1:
0x13: {  	s15 =	rddreg [dreg:$0x4]  }
0x14: {  	[tilespmem:s3], [sflag:$0x2] =	stream.linear.gather [hbm4b:s15+s3], $0x80, $0x38;
	[tilespmem:$0x10080] =	vst v63  }
0x15: {  	_ =	swait.ge [sflag:s6], $0x80  }
0x16: {  	[sflag:s6] =	ssyncset.done $0x0  }
0x17: {  	[sflag:s6] =	ssyncadd.s32 $0xFFFFFF80  }
0x18: {  	v3 =	vld [tilespmem:$0x0];
	_ =	sdelay $0x4  }
0x19: {  	v4 =	vshll.u32 v3, $0x2  }
0x1a: {  	v3 =	vand.u32 $0x7, v3;
	v4 =	vand.u32 $0xFFFFFFE0, v4  }
0x1b: {  	v3 =	vor.u32 v3, v4  }
0x1c: {  	v4 =	vperm.xlane v3, v0;
	_ =	sdelay $0x1  }
0x1d: {  	v4 =	vadd.s32 v1, v4;
	_ =	sdelay $0x1  }
0x1e: {  	v3 =	vperm.xlane v3, v2;
	_ =	sdelay $0x1  }
0x1f: {  	v3 =	vadd.s32 v1, v3  }
0x20: {  	[tilespmem:s25], [sflag:$0x1] =	stream.indirect_vreg.gather [hbm4b:s1+s3], $0x80, v4, vm0, $0xb8;
	[tilespmem:$0x10080] =	vst v63  }
0x21: {  	s0 =	simm.s32 $0x880  }
0x22: {  	[tilespmem:s0], [sflag:$0x1] =	stream.indirect_vreg.gather [hbm4b:s4+s3], $0x80, v4, vm0, $0xb8;
	[tilespmem:$0x10080] =	vst v63  }
0x23: {  	s7 =	simm.s32 $0x1080  }
0x24: {  	[tilespmem:s7], [sflag:$0x1] =	stream.indirect_vreg.gather [hbm4b:s1+s3], $0x80, v3, vm0, $0xb8;
	[tilespmem:$0x10080] =	vst v63  }
0x25: {  	s8 =	simm.s32 $0x1880  }
0x26: {  	[tilespmem:s8], [sflag:$0x1] =	stream.indirect_vreg.gather [hbm4b:s4+s3], $0x80, v3, vm0, $0xb8;
	[tilespmem:$0x10080] =	vst v63  }
0x27: {  	v3 =	vld [tilespmem:$0x10];
	_ =	sdelay $0x4  }
0x28: {  	v33 =	vshll.u32 v3, $0x2  }
0x29: {  	v3 =	vand.u32 $0x7, v3;
	v4 =	vand.u32 $0xFFFFFFE0, v33  }
0x2a: {  	v3 =	vor.u32 v3, v4  }
0x2b: {  	v4 =	vperm.xlane v3, v0;
	_ =	sdelay $0x1  }
0x2c: {  	v4 =	vadd.s32 v1, v4;
	_ =	sdelay $0x1  }
0x2d: {  	v3 =	vperm.xlane v3, v2;
	_ =	sdelay $0x1  }
0x2e: {  	s9 =	simm.s32 $0x2080;
	v3 =	vadd.s32 v1, v3  }
0x2f: {  	[tilespmem:s9], [sflag:$0x1] =	stream.indirect_vreg.gather [hbm4b:s1+s3], $0x80, v4, vm0, $0xb8;
	[tilespmem:$0x10080] =	vst v63  }
0x30: {  	s10 =	simm.s32 $0x2880  }
0x31: {  	[tilespmem:s10], [sflag:$0x1] =	stream.indirect_vreg.gather [hbm4b:s4+s3], $0x80, v4, vm0, $0xb8;
	[tilespmem:$0x10080] =	vst v63  }
0x32: {  	s11 =	simm.s32 $0x3080  }
0x33: {  	[tilespmem:s11], [sflag:$0x1] =	stream.indirect_vreg.gather [hbm4b:s1+s3], $0x80, v3, vm0, $0xb8;
	[tilespmem:$0x10080] =	vst v63  }
0x34: {  	s12 =	simm.s32 $0x3880  }
0x35: {  	[tilespmem:s12], [sflag:$0x1] =	stream.indirect_vreg.gather [hbm4b:s4+s3], $0x80, v3, vm0, $0xb8;
	[tilespmem:$0x10080] =	vst v63  }
0x36: {  	v3 =	vld [tilespmem:$0x20];
	_ =	sdelay $0x4  }
0x37: {  	v34 =	vshll.u32 v3, $0x2  }
0x38: {  	v3 =	vand.u32 $0x7, v3;
	v4 =	vand.u32 $0xFFFFFFE0, v34  }
0x39: {  	v3 =	vor.u32 v3, v4  }
0x3a: {  	v4 =	vperm.xlane v3, v0;
	_ =	sdelay $0x1  }
0x3b: {  	v4 =	vadd.s32 v1, v4;
	_ =	sdelay $0x1  }
0x3c: {  	v3 =	vperm.xlane v3, v2;
	_ =	sdelay $0x1  }
0x3d: {  	s13 =	simm.s32 $0x4080;
	v3 =	vadd.s32 v1, v3  }
0x3e: {  	[tilespmem:s13], [sflag:$0x1] =	stream.indirect_vreg.gather [hbm4b:s1+s3], $0x80, v4, vm0, $0xb8;
	[tilespmem:$0x10080] =	vst v63  }
0x3f: {  	s15 =	simm.s32 $0x4880  }
0x40: {  	[tilespmem:s15], [sflag:$0x1] =	stream.indirect_vreg.gather [hbm4b:s4+s3], $0x80, v4, vm0, $0xb8;
	[tilespmem:$0x10080] =	vst v63  }
0x41: {  	s16 =	simm.s32 $0x5080  }
0x42: {  	[tilespmem:s16], [sflag:$0x1] =	stream.indirect_vreg.gather [hbm4b:s1+s3], $0x80, v3, vm0, $0xb8;
	[tilespmem:$0x10080] =	vst v63  }
0x43: {  	s17 =	simm.s32 $0x5880  }
0x44: {  	[tilespmem:s17], [sflag:$0x1] =	stream.indirect_vreg.gather [hbm4b:s4+s3], $0x80, v3, vm0, $0xb8;
	[tilespmem:$0x10080] =	vst v63  }
0x45: {  	v3 =	vld [tilespmem:$0x30];
	_ =	sdelay $0x4  }
0x46: {  	v35 =	vshll.u32 v3, $0x2  }
0x47: {  	v3 =	vand.u32 $0x7, v3;
	v4 =	vand.u32 $0xFFFFFFE0, v35  }
0x48: {  	v3 =	vor.u32 v3, v4  }
0x49: {  	v4 =	vperm.xlane v3, v0;
	_ =	sdelay $0x1  }
0x4a: {  	v4 =	vadd.s32 v1, v4;
	_ =	sdelay $0x1  }
0x4b: {  	v3 =	vperm.xlane v3, v2;
	_ =	sdelay $0x1  }
0x4c: {  	s18 =	simm.s32 $0x6080;
	v3 =	vadd.s32 v1, v3  }
0x4d: {  	[tilespmem:s18], [sflag:$0x1] =	stream.indirect_vreg.gather [hbm4b:s1+s3], $0x80, v4, vm0, $0xb8;
	[tilespmem:$0x10080] =	vst v63  }
0x4e: {  	s19 =	simm.s32 $0x6880  }
0x4f: {  	[tilespmem:s19], [sflag:$0x1] =	stream.indirect_vreg.gather [hbm4b:s4+s3], $0x80, v4, vm0, $0xb8;
	[tilespmem:$0x10080] =	vst v63  }
0x50: {  	s20 =	simm.s32 $0x7080  }
0x51: {  	[tilespmem:s20], [sflag:$0x1] =	stream.indirect_vreg.gather [hbm4b:s1+s3], $0x80, v3, vm0, $0xb8;
	[tilespmem:$0x10080] =	vst v63  }
0x52: {  	s21 =	simm.s32 $0x7880  }
0x53: {  	[tilespmem:s21], [sflag:$0x1] =	stream.indirect_vreg.gather [hbm4b:s4+s3], $0x80, v3, vm0, $0xb8;
	[tilespmem:$0x10080] =	vst v63  }
0x54: {  	v3 =	vld [tilespmem:$0x40];
	_ =	sdelay $0x4  }
0x55: {  	v36 =	vshll.u32 v3, $0x2  }
0x56: {  	v3 =	vand.u32 $0x7, v3;
	v4 =	vand.u32 $0xFFFFFFE0, v36  }
0x57: {  	v3 =	vor.u32 v3, v4  }
0x58: {  	v4 =	vperm.xlane v3, v0;
	_ =	sdelay $0x1  }
0x59: {  	v4 =	vadd.s32 v1, v4;
	_ =	sdelay $0x1  }
0x5a: {  	v3 =	vperm.xlane v3, v2;
	_ =	sdelay $0x1  }
0x5b: {  	s22 =	simm.s32 $0x8080;
	v3 =	vadd.s32 v1, v3  }
0x5c: {  	[tilespmem:s22], [sflag:$0x1] =	stream.indirect_vreg.gather [hbm4b:s1+s3], $0x80, v4, vm0, $0xb8;
	[tilespmem:$0x10080] =	vst v63  }
0x5d: {  	s23 =	simm.s32 $0x8880  }
0x5e: {  	[tilespmem:s23], [sflag:$0x1] =	stream.indirect_vreg.gather [hbm4b:s4+s3], $0x80, v4, vm0, $0xb8;
	[tilespmem:$0x10080] =	vst v63  }
0x5f: {  	s24 =	simm.s32 $0x9080  }
0x60: {  	[tilespmem:s24], [sflag:$0x1] =	stream.indirect_vreg.gather [hbm4b:s1+s3], $0x80, v3, vm0, $0xb8;
	[tilespmem:$0x10080] =	vst v63  }
0x61: {  	s26 =	simm.s32 $0x9880  }
0x62: {  	[tilespmem:s26], [sflag:$0x1] =	stream.indirect_vreg.gather [hbm4b:s4+s3], $0x80, v3, vm0, $0xb8;
	[tilespmem:$0x10080] =	vst v63  }
0x63: {  	v3 =	vld [tilespmem:$0x50];
	_ =	sdelay $0x4  }
0x64: {  	v37 =	vshll.u32 v3, $0x2  }
0x65: {  	v3 =	vand.u32 $0x7, v3;
	v4 =	vand.u32 $0xFFFFFFE0, v37  }
0x66: {  	v3 =	vor.u32 v3, v4  }
0x67: {  	v4 =	vperm.xlane v3, v0;
	_ =	sdelay $0x1  }
0x68: {  	v4 =	vadd.s32 v1, v4;
	_ =	sdelay $0x1  }
0x69: {  	v3 =	vperm.xlane v3, v2;
	_ =	sdelay $0x1  }
0x6a: {  	s28 =	simm.s32 $0xA080;
	v3 =	vadd.s32 v1, v3  }
0x6b: {  	[tilespmem:s28], [sflag:$0x1] =	stream.indirect_vreg.gather [hbm4b:s1+s3], $0x80, v4, vm0, $0xb8;
	[tilespmem:$0x10080] =	vst v63  }
0x6c: {  	s29 =	simm.s32 $0xA880  }
0x6d: {  	[tilespmem:s29], [sflag:$0x1] =	stream.indirect_vreg.gather [hbm4b:s4+s3], $0x80, v4, vm0, $0xb8;
	[tilespmem:$0x10080] =	vst v63  }
0x6e: {  	s30 =	simm.s32 $0xB080  }
0x6f: {  	[tilespmem:s30], [sflag:$0x1] =	stream.indirect_vreg.gather [hbm4b:s1+s3], $0x80, v3, vm0, $0xb8;
	[tilespmem:$0x10080] =	vst v63  }
0x70: {  	s31 =	simm.s32 $0xB880  }
0x71: {  	[tilespmem:s31], [sflag:$0x1] =	stream.indirect_vreg.gather [hbm4b:s4+s3], $0x80, v3, vm0, $0xb8;
	[tilespmem:$0x10080] =	vst v63  }
0x72: {  	v3 =	vld [tilespmem:$0x60];
	_ =	sdelay $0x4  }
0x73: {  	v38 =	vshll.u32 v3, $0x2  }
0x74: {  	v3 =	vand.u32 $0x7, v3;
	v4 =	vand.u32 $0xFFFFFFE0, v38  }
0x75: {  	v3 =	vor.u32 v3, v4  }
0x76: {  	v4 =	vperm.xlane v3, v0;
	_ =	sdelay $0x1  }
0x77: {  	v4 =	vadd.s32 v1, v4;
	_ =	sdelay $0x1  }
0x78: {  	v3 =	vperm.xlane v3, v2;
	_ =	sdelay $0x1  }
0x79: {  	s0 =	simm.s32 $0xC080;
	v3 =	vadd.s32 v1, v3  }
0x7a: {  	[tilespmem:s0], [sflag:$0x1] =	stream.indirect_vreg.gather [hbm4b:s1+s3], $0x80, v4, vm0, $0xb8;
	[tilespmem:$0x10080] =	vst v63  }
0x7b: {  	s13 =	simm.s32 $0xC880  }
0x7c: {  	[tilespmem:s13], [sflag:$0x1] =	stream.indirect_vreg.gather [hbm4b:s4+s3], $0x80, v4, vm0, $0xb8;
	[tilespmem:$0x10080] =	vst v63  }
0x7d: {  	s16 =	simm.s32 $0xD080  }
0x7e: {  	[tilespmem:s16], [sflag:$0x1] =	stream.indirect_vreg.gather [hbm4b:s1+s3], $0x80, v3, vm0, $0xb8;
	[tilespmem:$0x10080] =	vst v63  }
0x7f: {  	s17 =	simm.s32 $0xD880  }
0x80: {  	[tilespmem:s17], [sflag:$0x1] =	stream.indirect_vreg.gather [hbm4b:s4+s3], $0x80, v3, vm0, $0xb8;
	[tilespmem:$0x10080] =	vst v63  }
0x81: {  	v3 =	vld [tilespmem:$0x70];
	_ =	sdelay $0x4  }
0x82: {  	v39 =	vshll.u32 v3, $0x2  }
0x83: {  	v3 =	vand.u32 $0x7, v3;
	v4 =	vand.u32 $0xFFFFFFE0, v39  }
0x84: {  	v3 =	vor.u32 v3, v4  }
0x85: {  	v4 =	vperm.xlane v3, v0;
	_ =	sdelay $0x1  }
0x86: {  	v4 =	vadd.s32 v1, v4;
	_ =	sdelay $0x1  }
0x87: {  	v3 =	vperm.xlane v3, v2;
	_ =	sdelay $0x1  }
0x88: {  	s18 =	simm.s32 $0xE080;
	v3 =	vadd.s32 v1, v3  }
0x89: {  	[tilespmem:s18], [sflag:$0x1] =	stream.indirect_vreg.gather [hbm4b:s1+s3], $0x80, v4, vm0, $0xb8;
	[tilespmem:$0x10080] =	vst v63  }
0x8a: {  	s19 =	simm.s32 $0xE880  }
0x8b: {  	[tilespmem:s19], [sflag:$0x1] =	stream.indirect_vreg.gather [hbm4b:s4+s3], $0x80, v4, vm0, $0xb8;
	[tilespmem:$0x10080] =	vst v63  }
0x8c: {  	s20 =	simm.s32 $0xF080  }
0x8d: {  	[tilespmem:s20], [sflag:$0x1] =	stream.indirect_vreg.gather [hbm4b:s1+s3], $0x80, v3, vm0, $0xb8;
	[tilespmem:$0x10080] =	vst v63  }
0x8e: {  	s21 =	simm.s32 $0xF880  }
0x8f: {  	[tilespmem:s21], [sflag:$0x1] =	stream.indirect_vreg.gather [hbm4b:s4+s3], $0x80, v3, vm0, $0xb8;
	[tilespmem:$0x10080] =	vst v63  }
0x90: {  	_ =	swait.ge [sflag:s14], $0x10000  }
0x91: {  	[sflag:s14] =	ssyncset.done $0x0  }
0x92: {  	s24 =	rddreg [dreg:$0x5];
	[sflag:s14] =	ssyncadd.s32 $0xFFFF0000  }
0x93: {  	[hbm4b:s24+s3] =	stream.linear.scatter [tilespmem:s25], [sflag:$0x2], $0x10000, $0x38;
	[tilespmem:$0x10080] =	vst v63  }
0x94: {  	_ =	swait.ge [sflag:s6], $0x10000  }
0x95: {  	[sflag:s6] =	ssyncset.done $0x0  }
0x96: {  	s26 =	rddreg [dreg:$0x6];
	[sflag:s6] =	ssyncadd.s32 $0xFFFF0000  }
0x97: {  	[tilespmem:s3], [sflag:$0x2] =	stream.linear.gather [hbm4b:s26+s3], $0x80, $0x38;
	[tilespmem:$0x10080] =	vst v63  }
0x98: {  	_ =	swait.ge [sflag:s6], $0x80  }
0x99: {  	[sflag:s6] =	ssyncset.done $0x0  }
0x9a: {  	[sflag:s6] =	ssyncadd.s32 $0xFFFFFF80  }
0x9b: {  	v3 =	vld [tilespmem:$0x0];
	_ =	sdelay $0x4  }
0x9c: {  	v40 =	vshll.u32 v3, $0x2  }
0x9d: {  	v3 =	vand.u32 $0x7, v3;
	v4 =	vand.u32 $0xFFFFFFE0, v40  }
0x9e: {  	v3 =	vor.u32 v3, v4  }
0x9f: {  	v4 =	vperm.xlane v3, v0;
	_ =	sdelay $0x1  }
0xa0: {  	v4 =	vadd.s32 v1, v4;
	_ =	sdelay $0x1  }
0xa1: {  	v3 =	vperm.xlane v3, v2;
	_ =	sdelay $0x1  }
0xa2: {  	v3 =	vadd.s32 v1, v3  }
0xa3: {  	[tilespmem:s25], [sflag:$0x1] =	stream.indirect_vreg.gather [hbm4b:s1+s3], $0x80, v4, vm0, $0xb8;
	[tilespmem:$0x10080] =	vst v63  }
0xa4: {  	s2 =	simm.s32 $0x880  }
0xa5: {  	[tilespmem:s2], [sflag:$0x1] =	stream.indirect_vreg.gather [hbm4b:s4+s3], $0x80, v4, vm0, $0xb8;
	[tilespmem:$0x10080] =	vst v63  }
0xa6: {  	s7 =	simm.s32 $0x1080  }
0xa7: {  	[tilespmem:s7], [sflag:$0x1] =	stream.indirect_vreg.gather [hbm4b:s1+s3], $0x80, v3, vm0, $0xb8;
	[tilespmem:$0x10080] =	vst v63  }
0xa8: {  	s16 =	simm.s32 $0x1880  }
0xa9: {  	[tilespmem:s16], [sflag:$0x1] =	stream.indirect_vreg.gather [hbm4b:s4+s3], $0x80, v3, vm0, $0xb8;
	[tilespmem:$0x10080] =	vst v63  }
0xaa: {  	v3 =	vld [tilespmem:$0x10];
	_ =	sdelay $0x4  }
0xab: {  	v41 =	vshll.u32 v3, $0x2  }
0xac: {  	v3 =	vand.u32 $0x7, v3;
	v4 =	vand.u32 $0xFFFFFFE0, v41  }
0xad: {  	v3 =	vor.u32 v3, v4  }
0xae: {  	v4 =	vperm.xlane v3, v0;
	_ =	sdelay $0x1  }
0xaf: {  	v4 =	vadd.s32 v1, v4;
	_ =	sdelay $0x1  }
0xb0: {  	v3 =	vperm.xlane v3, v2;
	_ =	sdelay $0x1  }
0xb1: {  	s8 =	simm.s32 $0x2080;
	v3 =	vadd.s32 v1, v3  }
0xb2: {  	[tilespmem:s8], [sflag:$0x1] =	stream.indirect_vreg.gather [hbm4b:s1+s3], $0x80, v4, vm0, $0xb8;
	[tilespmem:$0x10080] =	vst v63  }
0xb3: {  	s9 =	simm.s32 $0x2880  }
0xb4: {  	[tilespmem:s9], [sflag:$0x1] =	stream.indirect_vreg.gather [hbm4b:s4+s3], $0x80, v4, vm0, $0xb8;
	[tilespmem:$0x10080] =	vst v63  }
0xb5: {  	s10 =	simm.s32 $0x3080  }
0xb6: {  	[tilespmem:s10], [sflag:$0x1] =	stream.indirect_vreg.gather [hbm4b:s1+s3], $0x80, v3, vm0, $0xb8;
	[tilespmem:$0x10080] =	vst v63  }
0xb7: {  	s12 =	simm.s32 $0x3880  }
0xb8: {  	[tilespmem:s12], [sflag:$0x1] =	stream.indirect_vreg.gather [hbm4b:s4+s3], $0x80, v3, vm0, $0xb8;
	[tilespmem:$0x10080] =	vst v63  }
0xb9: {  	v3 =	vld [tilespmem:$0x20];
	_ =	sdelay $0x4  }
0xba: {  	v42 =	vshll.u32 v3, $0x2  }
0xbb: {  	v3 =	vand.u32 $0x7, v3;
	v4 =	vand.u32 $0xFFFFFFE0, v42  }
0xbc: {  	v3 =	vor.u32 v3, v4  }
0xbd: {  	v4 =	vperm.xlane v3, v0;
	_ =	sdelay $0x1  }
0xbe: {  	v4 =	vadd.s32 v1, v4;
	_ =	sdelay $0x1  }
0xbf: {  	v3 =	vperm.xlane v3, v2;
	_ =	sdelay $0x1  }
0xc0: {  	s11 =	simm.s32 $0x4080;
	v3 =	vadd.s32 v1, v3  }
0xc1: {  	[tilespmem:s11], [sflag:$0x1] =	stream.indirect_vreg.gather [hbm4b:s1+s3], $0x80, v4, vm0, $0xb8;
	[tilespmem:$0x10080] =	vst v63  }
0xc2: {  	s24 =	simm.s32 $0x4880  }
0xc3: {  	[tilespmem:s24], [sflag:$0x1] =	stream.indirect_vreg.gather [hbm4b:s4+s3], $0x80, v4, vm0, $0xb8;
	[tilespmem:$0x10080] =	vst v63  }
0xc4: {  	s12 =	simm.s32 $0x5080  }
0xc5: {  	[tilespmem:s12], [sflag:$0x1] =	stream.indirect_vreg.gather [hbm4b:s1+s3], $0x80, v3, vm0, $0xb8;
	[tilespmem:$0x10080] =	vst v63  }
0xc6: {  	s13 =	simm.s32 $0x5880  }
0xc7: {  	[tilespmem:s13], [sflag:$0x1] =	stream.indirect_vreg.gather [hbm4b:s4+s3], $0x80, v3, vm0, $0xb8;
	[tilespmem:$0x10080] =	vst v63  }
0xc8: {  	v3 =	vld [tilespmem:$0x30];
	_ =	sdelay $0x4  }
0xc9: {  	v43 =	vshll.u32 v3, $0x2  }
0xca: {  	v3 =	vand.u32 $0x7, v3;
	v4 =	vand.u32 $0xFFFFFFE0, v43  }
0xcb: {  	v3 =	vor.u32 v3, v4  }
0xcc: {  	v4 =	vperm.xlane v3, v0;
	_ =	sdelay $0x1  }
0xcd: {  	v4 =	vadd.s32 v1, v4;
	_ =	sdelay $0x1  }
0xce: {  	v3 =	vperm.xlane v3, v2;
	_ =	sdelay $0x1  }
0xcf: {  	s17 =	simm.s32 $0x6080;
	v3 =	vadd.s32 v1, v3  }
0xd0: {  	[tilespmem:s17], [sflag:$0x1] =	stream.indirect_vreg.gather [hbm4b:s1+s3], $0x80, v4, vm0, $0xb8;
	[tilespmem:$0x10080] =	vst v63  }
0xd1: {  	s18 =	simm.s32 $0x6880  }
0xd2: {  	[tilespmem:s18], [sflag:$0x1] =	stream.indirect_vreg.gather [hbm4b:s4+s3], $0x80, v4, vm0, $0xb8;
	[tilespmem:$0x10080] =	vst v63  }
0xd3: {  	s19 =	simm.s32 $0x7080  }
0xd4: {  	[tilespmem:s19], [sflag:$0x1] =	stream.indirect_vreg.gather [hbm4b:s1+s3], $0x80, v3, vm0, $0xb8;
	[tilespmem:$0x10080] =	vst v63  }
0xd5: {  	s20 =	simm.s32 $0x7880  }
0xd6: {  	[tilespmem:s20], [sflag:$0x1] =	stream.indirect_vreg.gather [hbm4b:s4+s3], $0x80, v3, vm0, $0xb8;
	[tilespmem:$0x10080] =	vst v63  }
0xd7: {  	v3 =	vld [tilespmem:$0x40];
	_ =	sdelay $0x4  }
0xd8: {  	v44 =	vshll.u32 v3, $0x2  }
0xd9: {  	v3 =	vand.u32 $0x7, v3;
	v4 =	vand.u32 $0xFFFFFFE0, v44  }
0xda: {  	v3 =	vor.u32 v3, v4  }
0xdb: {  	v4 =	vperm.xlane v3, v0;
	_ =	sdelay $0x1  }
0xdc: {  	v4 =	vadd.s32 v1, v4;
	_ =	sdelay $0x1  }
0xdd: {  	v3 =	vperm.xlane v3, v2;
	_ =	sdelay $0x1  }
0xde: {  	s0 =	simm.s32 $0x8080;
	v3 =	vadd.s32 v1, v3  }
0xdf: {  	[tilespmem:s0], [sflag:$0x1] =	stream.indirect_vreg.gather [hbm4b:s1+s3], $0x80, v4, vm0, $0xb8;
	[tilespmem:$0x10080] =	vst v63  }
0xe0: {  	s2 =	simm.s32 $0x8880  }
0xe1: {  	[tilespmem:s2], [sflag:$0x1] =	stream.indirect_vreg.gather [hbm4b:s4+s3], $0x80, v4, vm0, $0xb8;
	[tilespmem:$0x10080] =	vst v63  }
0xe2: {  	s7 =	simm.s32 $0x9080  }
0xe3: {  	[tilespmem:s7], [sflag:$0x1] =	stream.indirect_vreg.gather [hbm4b:s1+s3], $0x80, v3, vm0, $0xb8;
	[tilespmem:$0x10080] =	vst v63  }
0xe4: {  	s11 =	simm.s32 $0x9880  }
0xe5: {  	[tilespmem:s11], [sflag:$0x1] =	stream.indirect_vreg.gather [hbm4b:s4+s3], $0x80, v3, vm0, $0xb8;
	[tilespmem:$0x10080] =	vst v63  }
0xe6: {  	v3 =	vld [tilespmem:$0x50];
	_ =	sdelay $0x4  }
0xe7: {  	v45 =	vshll.u32 v3, $0x2  }
0xe8: {  	v3 =	vand.u32 $0x7, v3;
	v4 =	vand.u32 $0xFFFFFFE0, v45  }
0xe9: {  	v3 =	vor.u32 v3, v4  }
0xea: {  	v4 =	vperm.xlane v3, v0;
	_ =	sdelay $0x1  }
0xeb: {  	v4 =	vadd.s32 v1, v4;
	_ =	sdelay $0x1  }
0xec: {  	v3 =	vperm.xlane v3, v2;
	_ =	sdelay $0x1  }
0xed: {  	s8 =	simm.s32 $0xA080;
	v3 =	vadd.s32 v1, v3  }
0xee: {  	[tilespmem:s8], [sflag:$0x1] =	stream.indirect_vreg.gather [hbm4b:s1+s3], $0x80, v4, vm0, $0xb8;
	[tilespmem:$0x10080] =	vst v63  }
0xef: {  	s9 =	simm.s32 $0xA880  }
0xf0: {  	[tilespmem:s9], [sflag:$0x1] =	stream.indirect_vreg.gather [hbm4b:s4+s3], $0x80, v4, vm0, $0xb8;
	[tilespmem:$0x10080] =	vst v63  }
0xf1: {  	s10 =	simm.s32 $0xB080  }
0xf2: {  	[tilespmem:s10], [sflag:$0x1] =	stream.indirect_vreg.gather [hbm4b:s1+s3], $0x80, v3, vm0, $0xb8;
	[tilespmem:$0x10080] =	vst v63  }
0xf3: {  	s23 =	simm.s32 $0xB880  }
0xf4: {  	[tilespmem:s23], [sflag:$0x1] =	stream.indirect_vreg.gather [hbm4b:s4+s3], $0x80, v3, vm0, $0xb8;
	[tilespmem:$0x10080] =	vst v63  }
0xf5: {  	v3 =	vld [tilespmem:$0x60];
	_ =	sdelay $0x4  }
0xf6: {  	v46 =	vshll.u32 v3, $0x2  }
0xf7: {  	v3 =	vand.u32 $0x7, v3;
	v4 =	vand.u32 $0xFFFFFFE0, v46  }
0xf8: {  	v3 =	vor.u32 v3, v4  }
0xf9: {  	v4 =	vperm.xlane v3, v0;
	_ =	sdelay $0x1  }
0xfa: {  	v4 =	vadd.s32 v1, v4;
	_ =	sdelay $0x1  }
0xfb: {  	v3 =	vperm.xlane v3, v2;
	_ =	sdelay $0x1  }
0xfc: {  	s30 =	simm.s32 $0xC080;
	v3 =	vadd.s32 v1, v3  }
0xfd: {  	[tilespmem:s30], [sflag:$0x1] =	stream.indirect_vreg.gather [hbm4b:s1+s3], $0x80, v4, vm0, $0xb8;
	[tilespmem:$0x10080] =	vst v63  }
0xfe: {  	s28 =	simm.s32 $0xC880  }
0xff: {  	[tilespmem:s28], [sflag:$0x1] =	stream.indirect_vreg.gather [hbm4b:s4+s3], $0x80, v4, vm0, $0xb8;
	[tilespmem:$0x10080] =	vst v63  }
0x100: {  	s29 =	simm.s32 $0xD080  }
0x101: {  	[tilespmem:s29], [sflag:$0x1] =	stream.indirect_vreg.gather [hbm4b:s1+s3], $0x80, v3, vm0, $0xb8;
	[tilespmem:$0x10080] =	vst v63  }
0x102: {  	s22 =	simm.s32 $0xD880  }
0x103: {  	[tilespmem:s22], [sflag:$0x1] =	stream.indirect_vreg.gather [hbm4b:s4+s3], $0x80, v3, vm0, $0xb8;
	[tilespmem:$0x10080] =	vst v63  }
0x104: {  	v3 =	vld [tilespmem:$0x70];
	_ =	sdelay $0x4  }
0x105: {  	v47 =	vshll.u32 v3, $0x2  }
0x106: {  	v3 =	vand.u32 $0x7, v3;
	v4 =	vand.u32 $0xFFFFFFE0, v47  }
0x107: {  	v3 =	vor.u32 v3, v4  }
0x108: {  	v4 =	vperm.xlane v3, v0;
	_ =	sdelay $0x1  }
0x109: {  	v4 =	vadd.s32 v1, v4;
	_ =	sdelay $0x1  }
0x10a: {  	v3 =	vperm.xlane v3, v2;
	_ =	sdelay $0x1  }
0x10b: {  	s28 =	simm.s32 $0xE080;
	v3 =	vadd.s32 v1, v3  }
0x10c: {  	[tilespmem:s28], [sflag:$0x1] =	stream.indirect_vreg.gather [hbm4b:s1+s3], $0x80, v4, vm0, $0xb8;
	[tilespmem:$0x10080] =	vst v63  }
0x10d: {  	s29 =	simm.s32 $0xE880  }
0x10e: {  	[tilespmem:s29], [sflag:$0x1] =	stream.indirect_vreg.gather [hbm4b:s4+s3], $0x80, v4, vm0, $0xb8;
	[tilespmem:$0x10080] =	vst v63  }
0x10f: {  	s30 =	simm.s32 $0xF080  }
0x110: {  	[tilespmem:s30], [sflag:$0x1] =	stream.indirect_vreg.gather [hbm4b:s1+s3], $0x80, v3, vm0, $0xb8;
	[tilespmem:$0x10080] =	vst v63  }
0x111: {  	s21 =	simm.s32 $0xF880  }
0x112: {  	[tilespmem:s21], [sflag:$0x1] =	stream.indirect_vreg.gather [hbm4b:s4+s3], $0x80, v3, vm0, $0xb8;
	[tilespmem:$0x10080] =	vst v63  }
0x113: {  	_ =	swait.ge [sflag:s14], $0x10000  }
0x114: {  	[sflag:s14] =	ssyncset.done $0x0  }
0x115: {  	s21 =	rddreg [dreg:$0x7];
	[sflag:s14] =	ssyncadd.s32 $0xFFFF0000  }
0x116: {  	[hbm4b:s21+s3] =	stream.linear.scatter [tilespmem:s25], [sflag:$0x2], $0x10000, $0x38;
	[tilespmem:$0x10080] =	vst v63  }
0x117: {  	_ =	swait.ge [sflag:s6], $0x10000  }
0x118: {  	[sflag:s6] =	ssyncset.done $0x0  }
0x119: {  	s22 =	rddreg [dreg:$0x8];
	[sflag:s6] =	ssyncadd.s32 $0xFFFF0000  }
0x11a: {  	[tilespmem:s3], [sflag:$0x2] =	stream.linear.gather [hbm4b:s22+s3], $0x80, $0x38;
	[tilespmem:$0x10080] =	vst v63  }
0x11b: {  	_ =	swait.ge [sflag:s6], $0x80  }
0x11c: {  	[sflag:s6] =	ssyncset.done $0x0  }
0x11d: {  	[sflag:s6] =	ssyncadd.s32 $0xFFFFFF80  }
0x11e: {  	v3 =	vld [tilespmem:$0x0];
	_ =	sdelay $0x4  }
0x11f: {  	v48 =	vshll.u32 v3, $0x2  }
0x120: {  	v3 =	vand.u32 $0x7, v3;
	v4 =	vand.u32 $0xFFFFFFE0, v48  }
0x121: {  	v3 =	vor.u32 v3, v4  }
0x122: {  	v4 =	vperm.xlane v3, v0;
	_ =	sdelay $0x1  }
0x123: {  	v4 =	vadd.s32 v1, v4;
	_ =	sdelay $0x1  }
0x124: {  	v3 =	vperm.xlane v3, v2;
	_ =	sdelay $0x1  }
0x125: {  	v3 =	vadd.s32 v1, v3  }
0x126: {  	[tilespmem:s25], [sflag:$0x1] =	stream.indirect_vreg.gather [hbm4b:s1+s3], $0x80, v4, vm0, $0xb8;
	[tilespmem:$0x10080] =	vst v63  }
0x127: {  	s26 =	simm.s32 $0x880  }
0x128: {  	[tilespmem:s26], [sflag:$0x1] =	stream.indirect_vreg.gather [hbm4b:s4+s3], $0x80, v4, vm0, $0xb8;
	[tilespmem:$0x10080] =	vst v63  }
0x129: {  	s26 =	simm.s32 $0x1080  }
0x12a: {  	[tilespmem:s26], [sflag:$0x1] =	stream.indirect_vreg.gather [hbm4b:s1+s3], $0x80, v3, vm0, $0xb8;
	[tilespmem:$0x10080] =	vst v63  }
0x12b: {  	_ = 	snop  }
0x12c: {  	[tilespmem:s16], [sflag:$0x1] =	stream.indirect_vreg.gather [hbm4b:s4+s3], $0x80, v3, vm0, $0xb8;
	[tilespmem:$0x10080] =	vst v63  }
0x12d: {  	v3 =	vld [tilespmem:$0x10];
	_ =	sdelay $0x4  }
0x12e: {  	v49 =	vshll.u32 v3, $0x2  }
0x12f: {  	v3 =	vand.u32 $0x7, v3;
	v4 =	vand.u32 $0xFFFFFFE0, v49  }
0x130: {  	v3 =	vor.u32 v3, v4  }
0x131: {  	v4 =	vperm.xlane v3, v0;
	_ =	sdelay $0x1  }
0x132: {  	v4 =	vadd.s32 v1, v4;
	_ =	sdelay $0x1  }
0x133: {  	v3 =	vperm.xlane v3, v2;
	_ =	sdelay $0x1  }
0x134: {  	s16 =	simm.s32 $0x2080;
	v3 =	vadd.s32 v1, v3  }
0x135: {  	[tilespmem:s16], [sflag:$0x1] =	stream.indirect_vreg.gather [hbm4b:s1+s3], $0x80, v4, vm0, $0xb8;
	[tilespmem:$0x10080] =	vst v63  }
0x136: {  	s26 =	simm.s32 $0x2880  }
0x137: {  	[tilespmem:s26], [sflag:$0x1] =	stream.indirect_vreg.gather [hbm4b:s4+s3], $0x80, v4, vm0, $0xb8;
	[tilespmem:$0x10080] =	vst v63  }
0x138: {  	s16 =	simm.s32 $0x3080  }
0x139: {  	[tilespmem:s16], [sflag:$0x1] =	stream.indirect_vreg.gather [hbm4b:s1+s3], $0x80, v3, vm0, $0xb8;
	[tilespmem:$0x10080] =	vst v63  }
0x13a: {  	s26 =	simm.s32 $0x3880  }
0x13b: {  	[tilespmem:s26], [sflag:$0x1] =	stream.indirect_vreg.gather [hbm4b:s4+s3], $0x80, v3, vm0, $0xb8;
	[tilespmem:$0x10080] =	vst v63  }
0x13c: {  	v3 =	vld [tilespmem:$0x20];
	_ =	sdelay $0x4  }
0x13d: {  	v50 =	vshll.u32 v3, $0x2  }
0x13e: {  	v3 =	vand.u32 $0x7, v3;
	v4 =	vand.u32 $0xFFFFFFE0, v50  }
0x13f: {  	v3 =	vor.u32 v3, v4  }
0x140: {  	v4 =	vperm.xlane v3, v0;
	_ =	sdelay $0x1  }
0x141: {  	v4 =	vadd.s32 v1, v4;
	_ =	sdelay $0x1  }
0x142: {  	v3 =	vperm.xlane v3, v2;
	_ =	sdelay $0x1  }
0x143: {  	s16 =	simm.s32 $0x4080;
	v3 =	vadd.s32 v1, v3  }
0x144: {  	[tilespmem:s16], [sflag:$0x1] =	stream.indirect_vreg.gather [hbm4b:s1+s3], $0x80, v4, vm0, $0xb8;
	[tilespmem:$0x10080] =	vst v63  }
0x145: {  	_ = 	snop  }
0x146: {  	[tilespmem:s24], [sflag:$0x1] =	stream.indirect_vreg.gather [hbm4b:s4+s3], $0x80, v4, vm0, $0xb8;
	[tilespmem:$0x10080] =	vst v63  }
0x147: {  	_ = 	snop  }
0x148: {  	[tilespmem:s12], [sflag:$0x1] =	stream.indirect_vreg.gather [hbm4b:s1+s3], $0x80, v3, vm0, $0xb8;
	[tilespmem:$0x10080] =	vst v63  }
0x149: {  	_ = 	snop  }
0x14a: {  	[tilespmem:s13], [sflag:$0x1] =	stream.indirect_vreg.gather [hbm4b:s4+s3], $0x80, v3, vm0, $0xb8;
	[tilespmem:$0x10080] =	vst v63  }
0x14b: {  	v3 =	vld [tilespmem:$0x30];
	_ =	sdelay $0x4  }
0x14c: {  	v51 =	vshll.u32 v3, $0x2  }
0x14d: {  	v3 =	vand.u32 $0x7, v3;
	v4 =	vand.u32 $0xFFFFFFE0, v51  }
0x14e: {  	v3 =	vor.u32 v3, v4  }
0x14f: {  	v4 =	vperm.xlane v3, v0;
	_ =	sdelay $0x1  }
0x150: {  	v4 =	vadd.s32 v1, v4;
	_ =	sdelay $0x1  }
0x151: {  	v3 =	vperm.xlane v3, v2;
	_ =	sdelay $0x1  }
0x152: {  	v3 =	vadd.s32 v1, v3  }
0x153: {  	[tilespmem:s17], [sflag:$0x1] =	stream.indirect_vreg.gather [hbm4b:s1+s3], $0x80, v4, vm0, $0xb8;
	[tilespmem:$0x10080] =	vst v63  }
0x154: {  	_ = 	snop  }
0x155: {  	[tilespmem:s18], [sflag:$0x1] =	stream.indirect_vreg.gather [hbm4b:s4+s3], $0x80, v4, vm0, $0xb8;
	[tilespmem:$0x10080] =	vst v63  }
0x156: {  	_ = 	snop  }
0x157: {  	[tilespmem:s19], [sflag:$0x1] =	stream.indirect_vreg.gather [hbm4b:s1+s3], $0x80, v3, vm0, $0xb8;
	[tilespmem:$0x10080] =	vst v63  }
0x158: {  	_ = 	snop  }
0x159: {  	[tilespmem:s20], [sflag:$0x1] =	stream.indirect_vreg.gather [hbm4b:s4+s3], $0x80, v3, vm0, $0xb8;
	[tilespmem:$0x10080] =	vst v63  }
0x15a: {  	v3 =	vld [tilespmem:$0x40];
	_ =	sdelay $0x4  }
0x15b: {  	v52 =	vshll.u32 v3, $0x2  }
0x15c: {  	v3 =	vand.u32 $0x7, v3;
	v4 =	vand.u32 $0xFFFFFFE0, v52  }
0x15d: {  	v3 =	vor.u32 v3, v4  }
0x15e: {  	v4 =	vperm.xlane v3, v0;
	_ =	sdelay $0x1  }
0x15f: {  	v4 =	vadd.s32 v1, v4;
	_ =	sdelay $0x1  }
0x160: {  	v3 =	vperm.xlane v3, v2;
	_ =	sdelay $0x1  }
0x161: {  	v3 =	vadd.s32 v1, v3  }
0x162: {  	[tilespmem:s0], [sflag:$0x1] =	stream.indirect_vreg.gather [hbm4b:s1+s3], $0x80, v4, vm0, $0xb8;
	[tilespmem:$0x10080] =	vst v63  }
0x163: {  	_ = 	snop  }
0x164: {  	[tilespmem:s2], [sflag:$0x1] =	stream.indirect_vreg.gather [hbm4b:s4+s3], $0x80, v4, vm0, $0xb8;
	[tilespmem:$0x10080] =	vst v63  }
0x165: {  	_ = 	snop  }
0x166: {  	[tilespmem:s7], [sflag:$0x1] =	stream.indirect_vreg.gather [hbm4b:s1+s3], $0x80, v3, vm0, $0xb8;
	[tilespmem:$0x10080] =	vst v63  }
0x167: {  	_ = 	snop  }
0x168: {  	[tilespmem:s11], [sflag:$0x1] =	stream.indirect_vreg.gather [hbm4b:s4+s3], $0x80, v3, vm0, $0xb8;
	[tilespmem:$0x10080] =	vst v63  }
0x169: {  	v3 =	vld [tilespmem:$0x50];
	_ =	sdelay $0x4  }
0x16a: {  	v53 =	vshll.u32 v3, $0x2  }
0x16b: {  	v3 =	vand.u32 $0x7, v3;
	v4 =	vand.u32 $0xFFFFFFE0, v53  }
0x16c: {  	v3 =	vor.u32 v3, v4  }
0x16d: {  	v4 =	vperm.xlane v3, v0;
	_ =	sdelay $0x1  }
0x16e: {  	v4 =	vadd.s32 v1, v4;
	_ =	sdelay $0x1  }
0x16f: {  	v3 =	vperm.xlane v3, v2;
	_ =	sdelay $0x1  }
0x170: {  	v3 =	vadd.s32 v1, v3  }
0x171: {  	[tilespmem:s8], [sflag:$0x1] =	stream.indirect_vreg.gather [hbm4b:s1+s3], $0x80, v4, vm0, $0xb8;
	[tilespmem:$0x10080] =	vst v63  }
0x172: {  	_ = 	snop  }
0x173: {  	[tilespmem:s9], [sflag:$0x1] =	stream.indirect_vreg.gather [hbm4b:s4+s3], $0x80, v4, vm0, $0xb8;
	[tilespmem:$0x10080] =	vst v63  }
0x174: {  	_ = 	snop  }
0x175: {  	[tilespmem:s10], [sflag:$0x1] =	stream.indirect_vreg.gather [hbm4b:s1+s3], $0x80, v3, vm0, $0xb8;
	[tilespmem:$0x10080] =	vst v63  }
0x176: {  	s26 =	simm.s32 $0xB880  }
0x177: {  	[tilespmem:s26], [sflag:$0x1] =	stream.indirect_vreg.gather [hbm4b:s4+s3], $0x80, v3, vm0, $0xb8;
	[tilespmem:$0x10080] =	vst v63  }
0x178: {  	v3 =	vld [tilespmem:$0x60];
	_ =	sdelay $0x4  }
0x179: {  	v54 =	vshll.u32 v3, $0x2  }
0x17a: {  	v3 =	vand.u32 $0x7, v3;
	v4 =	vand.u32 $0xFFFFFFE0, v54  }
0x17b: {  	v3 =	vor.u32 v3, v4  }
0x17c: {  	v4 =	vperm.xlane v3, v0;
	_ =	sdelay $0x1  }
0x17d: {  	v4 =	vadd.s32 v1, v4;
	_ =	sdelay $0x1  }
0x17e: {  	v3 =	vperm.xlane v3, v2;
	_ =	sdelay $0x1  }
0x17f: {  	s31 =	simm.s32 $0xC080;
	v3 =	vadd.s32 v1, v3  }
0x180: {  	[tilespmem:s31], [sflag:$0x1] =	stream.indirect_vreg.gather [hbm4b:s1+s3], $0x80, v4, vm0, $0xb8;
	[tilespmem:$0x10080] =	vst v63  }
0x181: {  	s24 =	simm.s32 $0xC880  }
0x182: {  	[tilespmem:s24], [sflag:$0x1] =	stream.indirect_vreg.gather [hbm4b:s4+s3], $0x80, v4, vm0, $0xb8;
	[tilespmem:$0x10080] =	vst v63  }
0x183: {  	s23 =	simm.s32 $0xD080  }
0x184: {  	[tilespmem:s23], [sflag:$0x1] =	stream.indirect_vreg.gather [hbm4b:s1+s3], $0x80, v3, vm0, $0xb8;
	[tilespmem:$0x10080] =	vst v63  }
0x185: {  	s26 =	simm.s32 $0xD880  }
0x186: {  	[tilespmem:s26], [sflag:$0x1] =	stream.indirect_vreg.gather [hbm4b:s4+s3], $0x80, v3, vm0, $0xb8;
	[tilespmem:$0x10080] =	vst v63  }
0x187: {  	v3 =	vld [tilespmem:$0x70];
	_ =	sdelay $0x4  }
0x188: {  	v55 =	vshll.u32 v3, $0x2  }
0x189: {  	v3 =	vand.u32 $0x7, v3;
	v4 =	vand.u32 $0xFFFFFFE0, v55  }
0x18a: {  	v3 =	vor.u32 v3, v4  }
0x18b: {  	v4 =	vperm.xlane v3, v0;
	_ =	sdelay $0x1  }
0x18c: {  	v4 =	vadd.s32 v1, v4;
	_ =	sdelay $0x1  }
0x18d: {  	v3 =	vperm.xlane v3, v2;
	_ =	sdelay $0x1  }
0x18e: {  	s28 =	simm.s32 $0xE080;
	v3 =	vadd.s32 v1, v3  }
0x18f: {  	[tilespmem:s28], [sflag:$0x1] =	stream.indirect_vreg.gather [hbm4b:s1+s3], $0x80, v4, vm0, $0xb8;
	[tilespmem:$0x10080] =	vst v63  }
0x190: {  	s29 =	simm.s32 $0xE880  }
0x191: {  	[tilespmem:s29], [sflag:$0x1] =	stream.indirect_vreg.gather [hbm4b:s4+s3], $0x80, v4, vm0, $0xb8;
	[tilespmem:$0x10080] =	vst v63  }
0x192: {  	s30 =	simm.s32 $0xF080  }
0x193: {  	[tilespmem:s30], [sflag:$0x1] =	stream.indirect_vreg.gather [hbm4b:s1+s3], $0x80, v3, vm0, $0xb8;
	[tilespmem:$0x10080] =	vst v63  }
0x194: {  	s29 =	simm.s32 $0xF880  }
0x195: {  	[tilespmem:s29], [sflag:$0x1] =	stream.indirect_vreg.gather [hbm4b:s4+s3], $0x80, v3, vm0, $0xb8;
	[tilespmem:$0x10080] =	vst v63  }
0x196: {  	_ =	swait.ge [sflag:s14], $0x10000  }
0x197: {  	[sflag:s14] =	ssyncset.done $0x0  }
0x198: {  	s30 =	rddreg [dreg:$0x9];
	[sflag:s14] =	ssyncadd.s32 $0xFFFF0000  }
0x199: {  	[hbm4b:s30+s3] =	stream.linear.scatter [tilespmem:s25], [sflag:$0x2], $0x10000, $0x38;
	[tilespmem:$0x10080] =	vst v63  }
0x19a: {  	_ =	swait.ge [sflag:s6], $0x10000  }
0x19b: {  	[sflag:s6] =	ssyncset.done $0x0  }
0x19c: {  	s30 =	rddreg [dreg:$0xa];
	[sflag:s6] =	ssyncadd.s32 $0xFFFF0000  }
0x19d: {  	[tilespmem:s3], [sflag:$0x2] =	stream.linear.gather [hbm4b:s30+s3], $0x80, $0x38;
	[tilespmem:$0x10080] =	vst v63  }
0x19e: {  	_ =	swait.ge [sflag:s6], $0x80  }
0x19f: {  	[sflag:s6] =	ssyncset.done $0x0  }
0x1a0: {  	[sflag:s6] =	ssyncadd.s32 $0xFFFFFF80  }
0x1a1: {  	v3 =	vld [tilespmem:$0x0];
	_ =	sdelay $0x4  }
0x1a2: {  	v56 =	vshll.u32 v3, $0x2  }
0x1a3: {  	v3 =	vand.u32 $0x7, v3;
	v4 =	vand.u32 $0xFFFFFFE0, v56  }
0x1a4: {  	v3 =	vor.u32 v3, v4  }
0x1a5: {  	v4 =	vperm.xlane v3, v0;
	_ =	sdelay $0x1  }
0x1a6: {  	v4 =	vadd.s32 v1, v4;
	_ =	sdelay $0x1  }
0x1a7: {  	v3 =	vperm.xlane v3, v2;
	_ =	sdelay $0x1  }
0x1a8: {  	v3 =	vadd.s32 v1, v3  }
0x1a9: {  	[tilespmem:s25], [sflag:$0x1] =	stream.indirect_vreg.gather [hbm4b:s1+s3], $0x80, v4, vm0, $0xb8;
	[tilespmem:$0x10080] =	vst v63  }
0x1aa: {  	s22 =	simm.s32 $0x880  }
0x1ab: {  	[tilespmem:s22], [sflag:$0x1] =	stream.indirect_vreg.gather [hbm4b:s4+s3], $0x80, v4, vm0, $0xb8;
	[tilespmem:$0x10080] =	vst v63  }
0x1ac: {  	s30 =	simm.s32 $0x1080  }
0x1ad: {  	[tilespmem:s30], [sflag:$0x1] =	stream.indirect_vreg.gather [hbm4b:s1+s3], $0x80, v3, vm0, $0xb8;
	[tilespmem:$0x10080] =	vst v63  }
0x1ae: {  	s21 =	simm.s32 $0x1880  }
0x1af: {  	[tilespmem:s21], [sflag:$0x1] =	stream.indirect_vreg.gather [hbm4b:s4+s3], $0x80, v3, vm0, $0xb8;
	[tilespmem:$0x10080] =	vst v63  }
0x1b0: {  	v3 =	vld [tilespmem:$0x10];
	_ =	sdelay $0x4  }
0x1b1: {  	v57 =	vshll.u32 v3, $0x2  }
0x1b2: {  	v3 =	vand.u32 $0x7, v3;
	v4 =	vand.u32 $0xFFFFFFE0, v57  }
0x1b3: {  	v3 =	vor.u32 v3, v4  }
0x1b4: {  	v4 =	vperm.xlane v3, v0;
	_ =	sdelay $0x1  }
0x1b5: {  	v4 =	vadd.s32 v1, v4;
	_ =	sdelay $0x1  }
0x1b6: {  	v3 =	vperm.xlane v3, v2;
	_ =	sdelay $0x1  }
0x1b7: {  	s22 =	simm.s32 $0x2080;
	v3 =	vadd.s32 v1, v3  }
0x1b8: {  	[tilespmem:s22], [sflag:$0x1] =	stream.indirect_vreg.gather [hbm4b:s1+s3], $0x80, v4, vm0, $0xb8;
	[tilespmem:$0x10080] =	vst v63  }
0x1b9: {  	s30 =	simm.s32 $0x2880  }
0x1ba: {  	[tilespmem:s30], [sflag:$0x1] =	stream.indirect_vreg.gather [hbm4b:s4+s3], $0x80, v4, vm0, $0xb8;
	[tilespmem:$0x10080] =	vst v63  }
0x1bb: {  	s21 =	simm.s32 $0x3080  }
0x1bc: {  	[tilespmem:s21], [sflag:$0x1] =	stream.indirect_vreg.gather [hbm4b:s1+s3], $0x80, v3, vm0, $0xb8;
	[tilespmem:$0x10080] =	vst v63  }
0x1bd: {  	s22 =	simm.s32 $0x3880  }
0x1be: {  	[tilespmem:s22], [sflag:$0x1] =	stream.indirect_vreg.gather [hbm4b:s4+s3], $0x80, v3, vm0, $0xb8;
	[tilespmem:$0x10080] =	vst v63  }
0x1bf: {  	v3 =	vld [tilespmem:$0x20];
	_ =	sdelay $0x4  }
0x1c0: {  	v58 =	vshll.u32 v3, $0x2  }
0x1c1: {  	v3 =	vand.u32 $0x7, v3;
	v4 =	vand.u32 $0xFFFFFFE0, v58  }
0x1c2: {  	v3 =	vor.u32 v3, v4  }
0x1c3: {  	v4 =	vperm.xlane v3, v0;
	_ =	sdelay $0x1  }
0x1c4: {  	v4 =	vadd.s32 v1, v4;
	_ =	sdelay $0x1  }
0x1c5: {  	v3 =	vperm.xlane v3, v2;
	_ =	sdelay $0x1  }
0x1c6: {  	s30 =	simm.s32 $0x4080;
	v3 =	vadd.s32 v1, v3  }
0x1c7: {  	[tilespmem:s30], [sflag:$0x1] =	stream.indirect_vreg.gather [hbm4b:s1+s3], $0x80, v4, vm0, $0xb8;
	[tilespmem:$0x10080] =	vst v63  }
0x1c8: {  	s16 =	simm.s32 $0x4880  }
0x1c9: {  	[tilespmem:s16], [sflag:$0x1] =	stream.indirect_vreg.gather [hbm4b:s4+s3], $0x80, v4, vm0, $0xb8;
	[tilespmem:$0x10080] =	vst v63  }
0x1ca: {  	s12 =	simm.s32 $0x5080  }
0x1cb: {  	[tilespmem:s12], [sflag:$0x1] =	stream.indirect_vreg.gather [hbm4b:s1+s3], $0x80, v3, vm0, $0xb8;
	[tilespmem:$0x10080] =	vst v63  }
0x1cc: {  	s13 =	simm.s32 $0x5880  }
0x1cd: {  	[tilespmem:s13], [sflag:$0x1] =	stream.indirect_vreg.gather [hbm4b:s4+s3], $0x80, v3, vm0, $0xb8;
	[tilespmem:$0x10080] =	vst v63  }
0x1ce: {  	v3 =	vld [tilespmem:$0x30];
	_ =	sdelay $0x4  }
0x1cf: {  	v59 =	vshll.u32 v3, $0x2  }
0x1d0: {  	v3 =	vand.u32 $0x7, v3;
	v4 =	vand.u32 $0xFFFFFFE0, v59  }
0x1d1: {  	v3 =	vor.u32 v3, v4  }
0x1d2: {  	v4 =	vperm.xlane v3, v0;
	_ =	sdelay $0x1  }
0x1d3: {  	v4 =	vadd.s32 v1, v4;
	_ =	sdelay $0x1  }
0x1d4: {  	v3 =	vperm.xlane v3, v2;
	_ =	sdelay $0x1  }
0x1d5: {  	s17 =	simm.s32 $0x6080;
	v3 =	vadd.s32 v1, v3  }
0x1d6: {  	[tilespmem:s17], [sflag:$0x1] =	stream.indirect_vreg.gather [hbm4b:s1+s3], $0x80, v4, vm0, $0xb8;
	[tilespmem:$0x10080] =	vst v63  }
0x1d7: {  	s18 =	simm.s32 $0x6880  }
0x1d8: {  	[tilespmem:s18], [sflag:$0x1] =	stream.indirect_vreg.gather [hbm4b:s4+s3], $0x80, v4, vm0, $0xb8;
	[tilespmem:$0x10080] =	vst v63  }
0x1d9: {  	s19 =	simm.s32 $0x7080  }
0x1da: {  	[tilespmem:s19], [sflag:$0x1] =	stream.indirect_vreg.gather [hbm4b:s1+s3], $0x80, v3, vm0, $0xb8;
	[tilespmem:$0x10080] =	vst v63  }
0x1db: {  	s20 =	simm.s32 $0x7880  }
0x1dc: {  	[tilespmem:s20], [sflag:$0x1] =	stream.indirect_vreg.gather [hbm4b:s4+s3], $0x80, v3, vm0, $0xb8;
	[tilespmem:$0x10080] =	vst v63  }
0x1dd: {  	v3 =	vld [tilespmem:$0x40];
	_ =	sdelay $0x4  }
0x1de: {  	v60 =	vshll.u32 v3, $0x2  }
0x1df: {  	v3 =	vand.u32 $0x7, v3;
	v4 =	vand.u32 $0xFFFFFFE0, v60  }
0x1e0: {  	v3 =	vor.u32 v3, v4  }
0x1e1: {  	v4 =	vperm.xlane v3, v0;
	_ =	sdelay $0x1  }
0x1e2: {  	v4 =	vadd.s32 v1, v4;
	_ =	sdelay $0x1  }
0x1e3: {  	v3 =	vperm.xlane v3, v2;
	_ =	sdelay $0x1  }
0x1e4: {  	s0 =	simm.s32 $0x8080;
	v3 =	vadd.s32 v1, v3  }
0x1e5: {  	[tilespmem:s0], [sflag:$0x1] =	stream.indirect_vreg.gather [hbm4b:s1+s3], $0x80, v4, vm0, $0xb8;
	[tilespmem:$0x10080] =	vst v63  }
0x1e6: {  	s2 =	simm.s32 $0x8880  }
0x1e7: {  	[tilespmem:s2], [sflag:$0x1] =	stream.indirect_vreg.gather [hbm4b:s4+s3], $0x80, v4, vm0, $0xb8;
	[tilespmem:$0x10080] =	vst v63  }
0x1e8: {  	s7 =	simm.s32 $0x9080  }
0x1e9: {  	[tilespmem:s7], [sflag:$0x1] =	stream.indirect_vreg.gather [hbm4b:s1+s3], $0x80, v3, vm0, $0xb8;
	[tilespmem:$0x10080] =	vst v63  }
0x1ea: {  	s11 =	simm.s32 $0x9880  }
0x1eb: {  	[tilespmem:s11], [sflag:$0x1] =	stream.indirect_vreg.gather [hbm4b:s4+s3], $0x80, v3, vm0, $0xb8;
	[tilespmem:$0x10080] =	vst v63  }
0x1ec: {  	v3 =	vld [tilespmem:$0x50];
	_ =	sdelay $0x4  }
0x1ed: {  	v61 =	vshll.u32 v3, $0x2  }
0x1ee: {  	v3 =	vand.u32 $0x7, v3;
	v4 =	vand.u32 $0xFFFFFFE0, v61  }
0x1ef: {  	v3 =	vor.u32 v3, v4  }
0x1f0: {  	v4 =	vperm.xlane v3, v0;
	_ =	sdelay $0x1  }
0x1f1: {  	v4 =	vadd.s32 v1, v4;
	_ =	sdelay $0x1  }
0x1f2: {  	v3 =	vperm.xlane v3, v2;
	_ =	sdelay $0x1  }
0x1f3: {  	s8 =	simm.s32 $0xA080;
	v3 =	vadd.s32 v1, v3  }
0x1f4: {  	[tilespmem:s8], [sflag:$0x1] =	stream.indirect_vreg.gather [hbm4b:s1+s3], $0x80, v4, vm0, $0xb8;
	[tilespmem:$0x10080] =	vst v63  }
0x1f5: {  	s9 =	simm.s32 $0xA880  }
0x1f6: {  	[tilespmem:s9], [sflag:$0x1] =	stream.indirect_vreg.gather [hbm4b:s4+s3], $0x80, v4, vm0, $0xb8;
	[tilespmem:$0x10080] =	vst v63  }
0x1f7: {  	s10 =	simm.s32 $0xB080  }
0x1f8: {  	[tilespmem:s10], [sflag:$0x1] =	stream.indirect_vreg.gather [hbm4b:s1+s3], $0x80, v3, vm0, $0xb8;
	[tilespmem:$0x10080] =	vst v63  }
0x1f9: {  	s21 =	simm.s32 $0xB880  }
0x1fa: {  	[tilespmem:s21], [sflag:$0x1] =	stream.indirect_vreg.gather [hbm4b:s4+s3], $0x80, v3, vm0, $0xb8;
	[tilespmem:$0x10080] =	vst v63  }
0x1fb: {  	v3 =	vld [tilespmem:$0x60];
	_ =	sdelay $0x4  }
0x1fc: {  	v62 =	vshll.u32 v3, $0x2  }
0x1fd: {  	v3 =	vand.u32 $0x7, v3;
	v4 =	vand.u32 $0xFFFFFFE0, v62  }
0x1fe: {  	v3 =	vor.u32 v3, v4  }
0x1ff: {  	v4 =	vperm.xlane v3, v0;
	_ =	sdelay $0x1  }
0x200: {  	v4 =	vadd.s32 v1, v4;
	_ =	sdelay $0x1  }
0x201: {  	v3 =	vperm.xlane v3, v2;
	_ =	sdelay $0x1  }
0x202: {  	s31 =	simm.s32 $0xC080;
	v3 =	vadd.s32 v1, v3  }
0x203: {  	[tilespmem:s31], [sflag:$0x1] =	stream.indirect_vreg.gather [hbm4b:s1+s3], $0x80, v4, vm0, $0xb8;
	[tilespmem:$0x10080] =	vst v63  }
0x204: {  	s22 =	simm.s32 $0xC880  }
0x205: {  	[tilespmem:s22], [sflag:$0x1] =	stream.indirect_vreg.gather [hbm4b:s4+s3], $0x80, v4, vm0, $0xb8;
	[tilespmem:$0x10080] =	vst v63  }
0x206: {  	s24 =	simm.s32 $0xD080  }
0x207: {  	[tilespmem:s24], [sflag:$0x1] =	stream.indirect_vreg.gather [hbm4b:s1+s3], $0x80, v3, vm0, $0xb8;
	[tilespmem:$0x10080] =	vst v63  }
0x208: {  	s30 =	simm.s32 $0xD880  }
0x209: {  	[tilespmem:s30], [sflag:$0x1] =	stream.indirect_vreg.gather [hbm4b:s4+s3], $0x80, v3, vm0, $0xb8;
	[tilespmem:$0x10080] =	vst v63  }
0x20a: {  	v3 =	vld [tilespmem:$0x70];
	_ =	sdelay $0x4  }
0x20b: {  	v63 =	vshll.u32 v3, $0x2  }
0x20c: {  	v3 =	vand.u32 $0x7, v3;
	v4 =	vand.u32 $0xFFFFFFE0, v63  }
0x20d: {  	v3 =	vor.u32 v3, v4  }
0x20e: {  	v4 =	vperm.xlane v3, v0;
	_ =	sdelay $0x1  }
0x20f: {  	v4 =	vadd.s32 v1, v4;
	_ =	sdelay $0x1  }
0x210: {  	v3 =	vperm.xlane v3, v2;
	_ =	sdelay $0x1  }
0x211: {  	s23 =	simm.s32 $0xE080;
	v3 =	vadd.s32 v1, v3  }
0x212: {  	[tilespmem:s23], [sflag:$0x1] =	stream.indirect_vreg.gather [hbm4b:s1+s3], $0x80, v4, vm0, $0xb8;
	[tilespmem:$0x10080] =	vst v63  }
0x213: {  	s26 =	simm.s32 $0xE880  }
0x214: {  	[tilespmem:s26], [sflag:$0x1] =	stream.indirect_vreg.gather [hbm4b:s4+s3], $0x80, v4, vm0, $0xb8;
	[tilespmem:$0x10080] =	vst v63  }
0x215: {  	s28 =	simm.s32 $0xF080  }
0x216: {  	[tilespmem:s28], [sflag:$0x1] =	stream.indirect_vreg.gather [hbm4b:s1+s3], $0x80, v3, vm0, $0xb8;
	[tilespmem:$0x10080] =	vst v63  }
0x217: {  	s29 =	simm.s32 $0xF880  }
0x218: {  	[tilespmem:s29], [sflag:$0x1] =	stream.indirect_vreg.gather [hbm4b:s4+s3], $0x80, v3, vm0, $0xb8;
	[tilespmem:$0x10080] =	vst v63  }
0x219: {  	_ =	swait.ge [sflag:s14], $0x10000  }
0x21a: {  	p0 =	sne.s32 s5, $0x1;
	[sflag:s14] =	ssyncset.done $0x0  }
.Ltmp0:
0x21b: {  	s31 =	rddreg [dreg:$0xb];
	[sflag:s14] =	ssyncadd.s32 $0xFFFF0000;
	(pc) =	sbr.rel @p0 .LBB2_1-.Ltmp0, $4  }
0x21c: {  	[hbm4b:s31+s3] =	stream.linear.scatter [tilespmem:s25], [sflag:$0x2], $0x10000, $0x38;
	[tilespmem:$0x10080] =	vst v63  }
0x21d: {  	_ =	swait.ge [sflag:s6], $0x10000  }
0x21e: {  	[sflag:s6] =	ssyncset.done $0x0  }
0x21f: {  	s5 =	sadd.s32 $0xFFFFFFFF, s5;
	[sflag:s6] =	ssyncadd.s32 $0xFFFF0000  }
0x220: {  	_ =	sfence.sel $0x180000  }
0x221: {  	[bflag:$0x0] =	sbarrier.arrive $0xFFFF  }
0x222: {  	_ =	strace $0x90000047  }
0x223: {  	s0 =	stileid.u32;
	[bflag:$0x2] =	sbarrier.arrive $0xFFFF  }
0x224: {  	p0 =	sne.s32 s0, $0x0;
	s0 =	rddreg [dreg:$0x3]  }
0x225: {  	s0 =	sadd.s32 @!p0 $0x100000, s0  }
0x226: {  	[sflag:s0] =	ssyncadd.tile.s32 @!p0 $0x1;
	_ =	shalt  }
.Lfunc_end2:
_tile_overlayer_lowered:
.L_overlay_start_2:
0x227: {  	(tag) =	ssettag $0x2  }
0x228: {  	s0 =	rddreg [dreg:$0x0];
	s2 =	stileid.u32  }
0x229: {  	s1 =	rddreg [dreg:$0x1];
	p0 =	sne.s32 s2, $0x0  }
0x22a: {  	s3 =	rddreg [dreg:$0x2];
	[bflag:$0x3] =	sbarrier.arrive $0xFFFF;
	s2 =	simm.s32 @!p0 $0x1C02  }
0x22b: {  	[timem:s3], [sflag:s2] =	dma.local @!p0 [hbm:s0], s1  }
0x22c: {  	s0 =	simm.s32 @!p0 $0x2  }
0x22d: {  	_ =	swait.ge @!p0 [sflag:s0], s1  }
0x22e: {  	s1 =	ssub.s32 @!p0 $0x0, s1;
	[sflag:s0] =	ssyncset.done @!p0 $0x0  }
0x22f: {  	[sflag:s0] =	ssyncadd.s32 @!p0 s1  }
0x230: {  	[bflag:$0x3] =	sbarrier.arrive $0xFFFF  }
0x231: {  	_ =	shalt  }

</sc_bundles>
